<compile_context>
chip_gen: v7x
topology: tpu7x:2x2x1
jax: 0.10.2.dev20260603
libtpu: 0.0.44.dev20260713+nightly
codegen_flags: <defaults>
</compile_context>

<pallas_src>
import functools

import jax
import jax.numpy as jnp
from jax import lax
from jax.experimental import pallas as pl
from jax.experimental.pallas import tpu as pltpu
from jax.experimental.pallas import tpu_sc as plsc

_NC = 2
_NS = 16
_NW = _NC * _NS


def _sc_segment_sum(h, src, dst, zeros_nd):
    n, d = h.shape
    e = src.shape[0]
    ch = 80
    assert e % (_NW * ch) == 0
    epw = e // _NW
    nch = epw // ch
    rps = (n // _NS) // 8 * 8
    tail = n - _NS * rps
    assert tail % 8 == 0

    mesh = plsc.VectorSubcoreMesh(
        core_axis_name="c", subcore_axis_name="s",
        num_cores=_NC, num_subcores=_NS)

    scratch = [
        pltpu.VMEM((epw,), jnp.int32),
        pltpu.VMEM((epw,), jnp.int32),
        pltpu.VMEM((ch, d), jnp.float32),
        pltpu.VMEM((ch, d), jnp.float32),
        pltpu.VMEM((ch, d), jnp.float32),
        pltpu.VMEM_SHARED((n, d), jnp.float32),
        pltpu.SemaphoreType.DMA,
        pltpu.SemaphoreType.DMA,
        pltpu.SemaphoreType.DMA,
        pltpu.SemaphoreType.DMA,
        pltpu.SemaphoreType.DMA,
        pltpu.SemaphoreType.DMA,
    ]

    @functools.partial(
        pl.kernel,
        out_type=[jax.ShapeDtypeStruct((n, d), jnp.float32),
                  jax.ShapeDtypeStruct((n, d), jnp.float32)],
        mesh=mesh,
        scratch_types=scratch,
    )
    def seg(h_hbm, src_hbm, dst_hbm, z_hbm, out0_hbm, out1_hbm,
            srcb, dstb, rows0, rows1, rows2, agg_sh,
            gsem0, gsem1, gsem2, ssem0, ssem1, ssem2):
        c = lax.axis_index("c")
        s = lax.axis_index("s")
        wid = c * _NS + s
        rows = (rows0, rows1, rows2)
        gsems = (gsem0, gsem1, gsem2)
        ssems = (ssem0, ssem1, ssem2)

        base_e = wid * epw
        pltpu.async_copy(src_hbm.at[pl.ds(base_e, epw)], srcb, ssem0)
        pltpu.async_copy(dst_hbm.at[pl.ds(base_e, epw)], dstb, ssem1)
        pltpu.async_copy(z_hbm.at[pl.ds(s * rps, rps)],
                         agg_sh.at[pl.ds(s * rps, rps)], ssem2)
        if tail:
            @pl.when(s == _NS - 1)
            def _():
                pltpu.async_copy(z_hbm.at[pl.ds(_NS * rps, tail)],
                                 agg_sh.at[pl.ds(_NS * rps, tail)], ssem2)

        def gather(j, k):
            pltpu.async_copy(h_hbm.at[srcb.at[pl.ds(j * ch, ch)]],
                             rows[k], gsems[k])

        def gwait(k):
            pltpu.make_async_copy(h_hbm.at[pl.ds(0, ch)], rows[k],
                                  gsems[k]).wait()

        def scatter(j, k):
            pltpu.async_copy(rows[k], agg_sh.at[dstb.at[pl.ds(j * ch, ch)]],
                             ssems[k], add=True)

        def swait(k):
            pltpu.make_async_copy(h_hbm.at[pl.ds(0, ch)], rows[k],
                                  ssems[k]).wait()

        pltpu.make_async_copy(src_hbm.at[pl.ds(0, epw)], srcb, ssem0).wait()
        gather(0, 0)
        gather(1, 1)
        pltpu.make_async_copy(dst_hbm.at[pl.ds(0, epw)], dstb, ssem1).wait()
        pltpu.make_async_copy(z_hbm.at[pl.ds(0, rps)],
                              agg_sh.at[pl.ds(s * rps, rps)], ssem2).wait()
        if tail:
            @pl.when(s == _NS - 1)
            def _():
                pltpu.make_async_copy(z_hbm.at[pl.ds(0, tail)],
                                      agg_sh.at[pl.ds(_NS * rps, tail)],
                                      ssem2).wait()
        plsc.subcore_barrier()

        def triple(p, carry):
            for k in range(3):
                j = 3 * p + k
                k2 = (k + 2) % 3

                @pl.when(j < nch)
                def _():
                    gwait(k)
                    scatter(j, k)

                    @pl.when(j >= 1)
                    def _():
                        swait(k2)

                    @pl.when(j + 2 < nch)
                    def _():
                        gather(j + 2, k2)
            return carry

        lax.fori_loop(0, (nch + 2) // 3, triple, 0)
        swait((nch - 1) % 3)

        plsc.subcore_barrier()
        for ci, o_hbm in enumerate((out0_hbm, out1_hbm)):
            @pl.when(c == ci)
            def _():
                pltpu.sync_copy(agg_sh.at[pl.ds(s * rps, rps)],
                                o_hbm.at[pl.ds(s * rps, rps)])
                if tail:
                    @pl.when(s == _NS - 1)
                    def _():
                        pltpu.sync_copy(agg_sh.at[pl.ds(_NS * rps, tail)],
                                        o_hbm.at[pl.ds(_NS * rps, tail)])

    return seg(h, src, dst, zeros_nd)


_BLK = 2000


def _tc_linear(x, w, b, edge_index):
    n, d = x.shape
    hh = w.shape[1]
    e = edge_index.shape[1]
    nb = n // _BLK
    eb = e // nb
    assert n % _BLK == 0 and e % nb == 0

    def body(x_ref, w_ref, b_ref, ei_ref, o_ref, z_ref, src_ref, dst_ref):
        o_ref[...] = (jnp.dot(x_ref[...], w_ref[...],
                              preferred_element_type=jnp.float32)
                      + b_ref[...])
        z_ref[...] = jnp.zeros_like(z_ref)

        @pl.when(pl.program_id(0) == 0)
        def _():
            src_ref[...] = ei_ref[0]
            dst_ref[...] = ei_ref[1]

    return pl.pallas_call(
        body,
        grid=(nb,),
        in_specs=[pl.BlockSpec((_BLK, d), lambda i: (i, 0)),
                  pl.BlockSpec((d, hh), lambda i: (0, 0)),
                  pl.BlockSpec((1, hh), lambda i: (0, 0)),
                  pl.BlockSpec((2, e), lambda i: (0, 0))],
        out_specs=[pl.BlockSpec((_BLK, hh), lambda i: (i, 0)),
                   pl.BlockSpec((_BLK, hh), lambda i: (i, 0)),
                   pl.BlockSpec((e,), lambda i: (0,)),
                   pl.BlockSpec((e,), lambda i: (0,))],
        out_shape=[jax.ShapeDtypeStruct((n, hh), jnp.float32),
                   jax.ShapeDtypeStruct((n, hh), jnp.float32),
                   jax.ShapeDtypeStruct((e,), jnp.int32),
                   jax.ShapeDtypeStruct((e,), jnp.int32)],
    )(x, w, b.reshape(1, hh), edge_index)


def _tc_gin_layer(h, a0, a1, eps, w1, b1, g, be, w2, b2, relu_out):
    n, d = h.shape
    hh = w1.shape[1]
    nb = n // _BLK
    inv_n = 1.0 / n

    def body(eps_ref, h_ref, a0_ref, a1_ref, w1_ref, b1_ref,
             g_ref, be_ref, w2_ref, b2_ref, o_ref, z_scr, st_scr):
        p = pl.program_id(0)
        i = pl.program_id(1)

        @pl.when(p == 0)
        def _():
            z = (1.0 + eps_ref[0, 0]) * h_ref[...] + a0_ref[...] + a1_ref[...]
            z1 = (jnp.dot(z, w1_ref[...], preferred_element_type=jnp.float32)
                  + b1_ref[...])
            z_scr[pl.ds(i * _BLK, _BLK), :] = z1
            ps = jnp.sum(z1, axis=0, keepdims=True)
            pq = jnp.sum(z1 * z1, axis=0, keepdims=True)
            part = jnp.concatenate([ps, pq], axis=0)

            @pl.when(i == 0)
            def _():
                st_scr[...] = jnp.zeros_like(st_scr)

            st_scr[...] += part

        @pl.when(p == 1)
        def _():
            m = st_scr[0:1, :] * inv_n
            var = st_scr[1:2, :] * inv_n - m * m
            scale = lax.rsqrt(var + 1e-5) * g_ref[...]
            zn = (z_scr[pl.ds(i * _BLK, _BLK), :] - m) * scale + be_ref[...]
            zn = jnp.maximum(zn, 0.0)
            o = (jnp.dot(zn, w2_ref[...], preferred_element_type=jnp.float32)
                 + b2_ref[...])
            if relu_out:
                o = jnp.maximum(o, 0.0)
            o_ref[...] = o

    blk_i = lambda p, i: (jnp.where(p == 0, i, 0), 0)
    fixed = lambda p, i: (0, 0)
    return pl.pallas_call(
        body,
        grid=(2, nb),
        in_specs=[pl.BlockSpec(memory_space=pltpu.SMEM),
                  pl.BlockSpec((_BLK, d), blk_i),
                  pl.BlockSpec((_BLK, d), blk_i),
                  pl.BlockSpec((_BLK, d), blk_i),
                  pl.BlockSpec((d, hh), fixed),
                  pl.BlockSpec((1, hh), fixed),
                  pl.BlockSpec((1, hh), fixed),
                  pl.BlockSpec((1, hh), fixed),
                  pl.BlockSpec((hh, d), fixed),
                  pl.BlockSpec((1, d), fixed)],
        out_specs=pl.BlockSpec((_BLK, d), lambda p, i: (jnp.where(p == 1, i, 0), 0)),
        out_shape=jax.ShapeDtypeStruct((n, d), jnp.float32),
        scratch_shapes=[pltpu.VMEM((n, hh), jnp.float32),
                        pltpu.VMEM((2, hh), jnp.float32)],
    )(eps.reshape(1, 1), h, a0, a1, w1, b1.reshape(1, hh),
      g.reshape(1, hh), be.reshape(1, hh), w2, b2.reshape(1, d))


def kernel(x, edge_index, W_lin, b_lin,
           eps0, W1_0, b1_0, g0, be0, W2_0, b2_0,
           eps1, W1_1, b1_1, g1, be1, W2_1, b2_1):
    h, zeros_nd, src, dst = _tc_linear(x, W_lin, b_lin, edge_index)

    a0, a1 = _sc_segment_sum(h, src, dst, zeros_nd)
    h = _tc_gin_layer(h, a0, a1, eps0, W1_0, b1_0,
                      g0, be0, W2_0, b2_0, relu_out=True)

    a0, a1 = _sc_segment_sum(h, src, dst, zeros_nd)
    out = _tc_gin_layer(h, a0, a1, eps1, W1_1, b1_1,
                        g1, be1, W2_1, b2_1, relu_out=False)
    return out

# --- scband reference (transcript-rebuilt; emitter-appended) ---
"""Pipeline reference for scband-gnn-backbone-60026462929460 (READ-ONLY COPY).

The authoritative reference and input builder live on the scoring server;
editing this copy changes nothing except your own understanding.
"""

import jax, jax.numpy as jnp
import numpy as np

N = 10000
E = 320000
D = 128
H = 128


def _batchnorm(h, gamma, beta):
    # PyTorch BatchNorm1d in training mode: batch stats, biased variance, eps=1e-5
    m = h.mean(axis=0)
    v = h.var(axis=0)
    return (h - m) / jnp.sqrt(v + 1e-5) * gamma + beta


def _gin_conv(h, edge_index, eps, W1, b1, g, be, W2, b2):
    # edge_attr is None -> message is just x_j = x[src]; aggr='add' at dst
    src = edge_index[0]
    dst = edge_index[1]
    msg = h[src]
    agg = jax.ops.segment_sum(msg, dst, num_segments=h.shape[0])
    z = (1.0 + eps) * h + agg
    z = z @ W1 + b1
    z = _batchnorm(z, g, be)
    z = jax.nn.relu(z)
    z = z @ W2 + b2
    return z


def setup_inputs(seed: int = 0) -> dict:
    key = jax.random.key(seed)
    ks = jax.random.split(key, 20)
    x = jax.random.normal(ks[0], (N, D), dtype=jnp.float32)
    edge_index = jax.random.randint(ks[1], (2, E), 0, N, dtype=jnp.int32)
    s = 0.05
    inp = {
        'x': x,
        'edge_index': edge_index,
        'W_lin': jax.random.normal(ks[2], (D, H), dtype=jnp.float32) * s,
        'b_lin': jnp.zeros((H,), dtype=jnp.float32),
        'eps0': jnp.zeros((1,), dtype=jnp.float32),
        'W1_0': jax.random.normal(ks[3], (H, 2 * H), dtype=jnp.float32) * s,
        'b1_0': jnp.zeros((2 * H,), dtype=jnp.float32),
        'g0': jnp.ones((2 * H,), dtype=jnp.float32),
        'be0': jnp.zeros((2 * H,), dtype=jnp.float32),
        'W2_0': jax.random.normal(ks[4], (2 * H, H), dtype=jnp.float32) * s,
        'b2_0': jnp.zeros((H,), dtype=jnp.float32),
        'eps1': jnp.zeros((1,), dtype=jnp.float32),
        'W1_1': jax.random.normal(ks[5], (H, 2 * H), dtype=jnp.float32) * s,
        'b1_1': jnp.zeros((2 * H,), dtype=jnp.float32),
        'g1': jnp.ones((2 * H,), dtype=jnp.float32),
        'be1': jnp.zeros((2 * H,), dtype=jnp.float32),
        'W2_1': jax.random.normal(ks[6], (2 * H, H), dtype=jnp.float32) * s,
        'b2_1': jnp.zeros((H,), dtype=jnp.float32),
    }
    return inp


def reference(x, edge_index, W_lin, b_lin,
              eps0, W1_0, b1_0, g0, be0, W2_0, b2_0,
              eps1, W1_1, b1_1, g1, be1, W2_1, b2_1):
    # x.shape[1] == 128 != 1 -> dense path (no embedding lookup)
    h = x @ W_lin + b_lin
    # edge_attr is None -> agg_edge skipped
    # layer 0 (not last): relu after conv; dropout treated as identity (deterministic reference)
    h = _gin_conv(h, edge_index, eps0, W1_0, b1_0, g0, be0, W2_0, b2_0)
    h = jax.nn.relu(h)
    # layer 1 (last): no relu
    h = _gin_conv(h, edge_index, eps1, W1_1, b1_1, g1, be1, W2_1, b2_1)
    return h

if __name__ == "__main__":
    import jax
    _d = setup_inputs()
    print(jax.jit(kernel)(*tuple(_d.values())))

</pallas_src>

<mosaic_0001>
#map = affine_map<(d0, d1) -> (0, 0)>
#map1 = affine_map<(d0, d1) -> (0)>
module attributes {stable_mosaic.version = 14 : i64} {
  func.func @seg(%arg0: i32, %arg1: i32, %arg2: memref<10000x128xf32, #tpu.memory_space<hbm>>, %arg3: memref<320000xi32, #tpu.memory_space<hbm>>, %arg4: memref<320000xi32, #tpu.memory_space<hbm>>, %arg5: memref<10000x128xf32, #tpu.memory_space<hbm>>, %arg6: memref<10000x128xf32, #tpu.memory_space<hbm>>, %arg7: memref<10000x128xf32, #tpu.memory_space<hbm>>, %arg8: memref<10000xi32, #tpu.memory_space<vmem>>, %arg9: memref<10000xi32, #tpu.memory_space<vmem>>, %arg10: memref<80x128xf32, #tpu.memory_space<vmem>>, %arg11: memref<80x128xf32, #tpu.memory_space<vmem>>, %arg12: memref<80x128xf32, #tpu.memory_space<vmem>>, %arg13: memref<10000x128xf32, #tpu.memory_space<vmem_shared>>, %arg14: memref<!tpu.dma_semaphore, #tpu.memory_space<semaphore_mem>>, %arg15: memref<!tpu.dma_semaphore, #tpu.memory_space<semaphore_mem>>, %arg16: memref<!tpu.dma_semaphore, #tpu.memory_space<semaphore_mem>>, %arg17: memref<!tpu.dma_semaphore, #tpu.memory_space<semaphore_mem>>, %arg18: memref<!tpu.dma_semaphore, #tpu.memory_space<semaphore_mem>>, %arg19: memref<!tpu.dma_semaphore, #tpu.memory_space<semaphore_mem>>) attributes {dimension_semantics = [#tpu.dimension_semantics<core_parallel>, #tpu.dimension_semantics<subcore_parallel>], iteration_bounds = array<i64: 2, 16>, scalar_prefetch = 0 : i64, scratch_operands = 12 : i64, tpu.core_type = #tpu.core_type<sc_vector_subcore>, window_params = [{transform_indices = #map}, {transform_indices = #map1}, {transform_indices = #map1}, {transform_indices = #map}, {transform_indices = #map}, {transform_indices = #map}]} {
    %mul3A = arith.constant 16 : i32
    %mul3A_0 = arith.muli %arg0, %mul3A : i32
    %add3A = arith.addi %mul3A_0, %arg1 : i32
    %mul3A_1 = arith.constant 10000 : i32
    %mul3A_2 = arith.muli %add3A, %mul3A_1 : i32
    %dma_start3A = tpu.memref_slice %arg3[%mul3A_2] : memref<320000xi32, #tpu.memory_space<hbm>> -> memref<10000xi32, #tpu.memory_space<hbm>>
    %dma_start3A_3 = tpu.memref_slice %arg3[%mul3A_2] : memref<320000xi32, #tpu.memory_space<hbm>> -> memref<10000xi32, #tpu.memory_space<hbm>>
    tpu.enqueue_dma source(%dma_start3A_3 : memref<10000xi32, #tpu.memory_space<hbm>>) target(%arg8 : memref<10000xi32, #tpu.memory_space<vmem>>) target_semaphore(%arg17 : memref<!tpu.dma_semaphore, #tpu.memory_space<semaphore_mem>>)
    %dma_start3A_4 = tpu.memref_slice %arg4[%mul3A_2] : memref<320000xi32, #tpu.memory_space<hbm>> -> memref<10000xi32, #tpu.memory_space<hbm>>
    %dma_start3A_5 = tpu.memref_slice %arg4[%mul3A_2] : memref<320000xi32, #tpu.memory_space<hbm>> -> memref<10000xi32, #tpu.memory_space<hbm>>
    tpu.enqueue_dma source(%dma_start3A_5 : memref<10000xi32, #tpu.memory_space<hbm>>) target(%arg9 : memref<10000xi32, #tpu.memory_space<vmem>>) target_semaphore(%arg18 : memref<!tpu.dma_semaphore, #tpu.memory_space<semaphore_mem>>)
    %mul3A_6 = arith.constant 624 : i32
    %mul3A_7 = arith.muli %arg1, %mul3A_6 : i32
    %mul3A_8 = arith.constant 624 : i32
    %mul3A_9 = arith.muli %arg1, %mul3A_8 : i32
    %dma_start3A_10 = arith.constant 0 : i32
    %dma_start3A_11 = tpu.memref_slice %arg13[%mul3A_9, %dma_start3A_10] : memref<10000x128xf32, #tpu.memory_space<vmem_shared>> -> memref<624x128xf32, #tpu.memory_space<vmem_shared>>
    %dma_start3A_12 = arith.constant 0 : i32
    %dma_start3A_13 = tpu.memref_slice %arg5[%mul3A_7, %dma_start3A_12] : memref<10000x128xf32, #tpu.memory_space<hbm>> -> memref<624x128xf32, #tpu.memory_space<hbm>>
    tpu.enqueue_dma source(%dma_start3A_13 : memref<624x128xf32, #tpu.memory_space<hbm>>) target(%dma_start3A_11 : memref<624x128xf32, #tpu.memory_space<vmem_shared>>) target_semaphore(%arg19 : memref<!tpu.dma_semaphore, #tpu.memory_space<semaphore_mem>>)
    %eq3A = arith.constant 15 : i32
    %eq3A_14 = arith.cmpi eq, %arg1, %eq3A : i32
    %convert_element_type3A = arith.extui %eq3A_14 : i1 to i32
    %cond3A = arith.constant 0 : i32
    %cond3A_15 = arith.cmpi ne, %convert_element_type3A, %cond3A : i32
    scf.if %cond3A_15 {
      %dma_start3A_67 = arith.constant 9984 : i32
      %dma_start3A_68 = arith.constant 0 : i32
      %dma_start3A_69 = tpu.memref_slice %arg13[%dma_start3A_67, %dma_start3A_68] : memref<10000x128xf32, #tpu.memory_space<vmem_shared>> -> memref<16x128xf32, #tpu.memory_space<vmem_shared>>
      %dma_start3A_70 = arith.constant 9984 : i32
      %dma_start3A_71 = arith.constant 0 : i32
      %dma_start3A_72 = tpu.memref_slice %arg5[%dma_start3A_70, %dma_start3A_71] : memref<10000x128xf32, #tpu.memory_space<hbm>> -> memref<16x128xf32, #tpu.memory_space<hbm>>
      tpu.enqueue_dma source(%dma_start3A_72 : memref<16x128xf32, #tpu.memory_space<hbm>>) target(%dma_start3A_69 : memref<16x128xf32, #tpu.memory_space<vmem_shared>>) target_semaphore(%arg19 : memref<!tpu.dma_semaphore, #tpu.memory_space<semaphore_mem>>)
    } else {
    }
    %dma_wait3A = arith.constant 0 : i32
    %dma_wait3A_16 = tpu.memref_slice %arg3[%dma_wait3A] : memref<320000xi32, #tpu.memory_space<hbm>> -> memref<10000xi32, #tpu.memory_space<hbm>>
    %dma_wait3A_17 = arith.constant 0 : i32
    %dma_wait3A_18 = tpu.memref_slice %arg3[%dma_wait3A_17] : memref<320000xi32, #tpu.memory_space<hbm>> -> memref<10000xi32, #tpu.memory_space<hbm>>
    tpu.wait_dma2 semaphore(%arg17 : memref<!tpu.dma_semaphore, #tpu.memory_space<semaphore_mem>>) src(%dma_wait3A_18 : memref<10000xi32, #tpu.memory_space<hbm>>) dst(%arg8 : memref<10000xi32, #tpu.memory_space<vmem>>)
    %dma_start3A_19 = arith.constant 0 : i32
    %dma_start3A_20 = tpu.memref_slice %arg8[%dma_start3A_19] : memref<10000xi32, #tpu.memory_space<vmem>> -> memref<80xi32, #tpu.memory_space<vmem>>
    %dma_start3A_21 = arith.constant 0 : i32
    %dma_start3A_22 = arith.constant 0 : i32
    %dma_start3A_23 = tpu.memref_slice %arg2[%dma_start3A_21, %dma_start3A_22] : memref<10000x128xf32, #tpu.memory_space<hbm>> -> memref<10000x128xf32, #tpu.memory_space<hbm>>
    tpu.enqueue_indirect_dma source(%dma_start3A_23 : memref<10000x128xf32, #tpu.memory_space<hbm>>) target(%arg10 : memref<80x128xf32, #tpu.memory_space<vmem>>) offsets(%dma_start3A_20 : memref<80xi32, #tpu.memory_space<vmem>>) semaphore(%arg14 : memref<!tpu.dma_semaphore, #tpu.memory_space<semaphore_mem>>)
    %dma_start3A_24 = arith.constant 80 : i32
    %dma_start3A_25 = tpu.memref_slice %arg8[%dma_start3A_24] : memref<10000xi32, #tpu.memory_space<vmem>> -> memref<80xi32, #tpu.memory_space<vmem>>
    %dma_start3A_26 = arith.constant 0 : i32
    %dma_start3A_27 = arith.constant 0 : i32
    %dma_start3A_28 = tpu.memref_slice %arg2[%dma_start3A_26, %dma_start3A_27] : memref<10000x128xf32, #tpu.memory_space<hbm>> -> memref<10000x128xf32, #tpu.memory_space<hbm>>
    tpu.enqueue_indirect_dma source(%dma_start3A_28 : memref<10000x128xf32, #tpu.memory_space<hbm>>) target(%arg11 : memref<80x128xf32, #tpu.memory_space<vmem>>) offsets(%dma_start3A_25 : memref<80xi32, #tpu.memory_space<vmem>>) semaphore(%arg15 : memref<!tpu.dma_semaphore, #tpu.memory_space<semaphore_mem>>)
    %dma_wait3A_29 = arith.constant 0 : i32
    %dma_wait3A_30 = tpu.memref_slice %arg4[%dma_wait3A_29] : memref<320000xi32, #tpu.memory_space<hbm>> -> memref<10000xi32, #tpu.memory_space<hbm>>
    %dma_wait3A_31 = arith.constant 0 : i32
    %dma_wait3A_32 = tpu.memref_slice %arg4[%dma_wait3A_31] : memref<320000xi32, #tpu.memory_space<hbm>> -> memref<10000xi32, #tpu.memory_space<hbm>>
    tpu.wait_dma2 semaphore(%arg18 : memref<!tpu.dma_semaphore, #tpu.memory_space<semaphore_mem>>) src(%dma_wait3A_32 : memref<10000xi32, #tpu.memory_space<hbm>>) dst(%arg9 : memref<10000xi32, #tpu.memory_space<vmem>>)
    %mul3A_33 = arith.constant 624 : i32
    %mul3A_34 = arith.muli %arg1, %mul3A_33 : i32
    %dma_wait3A_35 = arith.constant 0 : i32
    %dma_wait3A_36 = tpu.memref_slice %arg13[%mul3A_34, %dma_wait3A_35] : memref<10000x128xf32, #tpu.memory_space<vmem_shared>> -> memref<624x128xf32, #tpu.memory_space<vmem_shared>>
    %dma_wait3A_37 = arith.constant 0 : i32
    %dma_wait3A_38 = arith.constant 0 : i32
    %dma_wait3A_39 = tpu.memref_slice %arg5[%dma_wait3A_37, %dma_wait3A_38] : memref<10000x128xf32, #tpu.memory_space<hbm>> -> memref<624x128xf32, #tpu.memory_space<hbm>>
    tpu.wait_dma2 semaphore(%arg19 : memref<!tpu.dma_semaphore, #tpu.memory_space<semaphore_mem>>) src(%dma_wait3A_39 : memref<624x128xf32, #tpu.memory_space<hbm>>) dst(%dma_wait3A_36 : memref<624x128xf32, #tpu.memory_space<vmem_shared>>)
    %eq3A_40 = arith.constant 15 : i32
    %eq3A_41 = arith.cmpi eq, %arg1, %eq3A_40 : i32
    %convert_element_type3A_42 = arith.extui %eq3A_41 : i1 to i32
    %cond3A_43 = arith.constant 0 : i32
    %cond3A_44 = arith.cmpi ne, %convert_element_type3A_42, %cond3A_43 : i32
    scf.if %cond3A_44 {
      %dma_wait3A_67 = arith.constant 9984 : i32
      %dma_wait3A_68 = arith.constant 0 : i32
      %dma_wait3A_69 = tpu.memref_slice %arg13[%dma_wait3A_67, %dma_wait3A_68] : memref<10000x128xf32, #tpu.memory_space<vmem_shared>> -> memref<16x128xf32, #tpu.memory_space<vmem_shared>>
      %dma_wait3A_70 = arith.constant 0 : i32
      %dma_wait3A_71 = arith.constant 0 : i32
      %dma_wait3A_72 = tpu.memref_slice %arg5[%dma_wait3A_70, %dma_wait3A_71] : memref<10000x128xf32, #tpu.memory_space<hbm>> -> memref<16x128xf32, #tpu.memory_space<hbm>>
      tpu.wait_dma2 semaphore(%arg19 : memref<!tpu.dma_semaphore, #tpu.memory_space<semaphore_mem>>) src(%dma_wait3A_72 : memref<16x128xf32, #tpu.memory_space<hbm>>) dst(%dma_wait3A_69 : memref<16x128xf32, #tpu.memory_space<vmem_shared>>)
    } else {
    }
    %barrier3A = arith.constant 0 : index
    tpu.barrier barrier_id(%barrier3A)
    %scan3A = arith.constant 0 : i32
    %scan3A_45 = arith.constant 0 : i32
    %scan3A_46 = arith.constant 42 : i32
    %scan3A_47 = arith.addi %scan3A_45, %scan3A_46 : i32
    %scan3A_48 = arith.constant 1 : i32
    scf.for %scan3A_67 = %scan3A_45 to %scan3A_47 step %scan3A_48  : i32 {
      %mul3A_68 = arith.constant 3 : i32
      %mul3A_69 = arith.muli %mul3A_68, %scan3A_67 : i32
      %add3A_70 = arith.constant 0 : i32
      %add3A_71 = arith.addi %mul3A_69, %add3A_70 : i32
      %lt3A = arith.constant 125 : i32
      %lt3A_72 = arith.cmpi slt, %add3A_71, %lt3A : i32
      %convert_element_type3A_73 = arith.extui %lt3A_72 : i1 to i32
      %cond3A_74 = arith.constant 0 : i32
      %cond3A_75 = arith.cmpi ne, %convert_element_type3A_73, %cond3A_74 : i32
      scf.if %cond3A_75 {
        %dma_wait3A_94 = arith.constant 0 : i32
        %dma_wait3A_95 = arith.constant 0 : i32
        %dma_wait3A_96 = tpu.memref_slice %arg2[%dma_wait3A_94, %dma_wait3A_95] : memref<10000x128xf32, #tpu.memory_space<hbm>> -> memref<80x128xf32, #tpu.memory_space<hbm>>
        %dma_wait3A_97 = arith.constant 0 : i32
        %dma_wait3A_98 = arith.constant 0 : i32
        %dma_wait3A_99 = tpu.memref_slice %arg2[%dma_wait3A_97, %dma_wait3A_98] : memref<10000x128xf32, #tpu.memory_space<hbm>> -> memref<80x128xf32, #tpu.memory_space<hbm>>
        tpu.wait_dma2 semaphore(%arg14 : memref<!tpu.dma_semaphore, #tpu.memory_space<semaphore_mem>>) src(%dma_wait3A_99 : memref<80x128xf32, #tpu.memory_space<hbm>>) dst(%arg10 : memref<80x128xf32, #tpu.memory_space<vmem>>)
        %mul3A_100 = arith.constant 80 : i32
        %mul3A_101 = arith.muli %add3A_71, %mul3A_100 : i32
        %dma_start3A_102 = tpu.memref_slice %arg9[%mul3A_101] : memref<10000xi32, #tpu.memory_space<vmem>> -> memref<80xi32, #tpu.memory_space<vmem>>
        %dma_start3A_103 = arith.constant 0 : i32
        %dma_start3A_104 = arith.constant 0 : i32
        %dma_start3A_105 = tpu.memref_slice %arg13[%dma_start3A_103, %dma_start3A_104] : memref<10000x128xf32, #tpu.memory_space<vmem_shared>> -> memref<10000x128xf32, #tpu.memory_space<vmem_shared>>
        tpu.enqueue_indirect_dma source(%arg10 : memref<80x128xf32, #tpu.memory_space<vmem>>) target(%dma_start3A_105 : memref<10000x128xf32, #tpu.memory_space<vmem_shared>>) offsets(%dma_start3A_102 : memref<80xi32, #tpu.memory_space<vmem>>) semaphore(%arg17 : memref<!tpu.dma_semaphore, #tpu.memory_space<semaphore_mem>>) {add = true}
        %ge3A = arith.constant 1 : i32
        %ge3A_106 = arith.cmpi sge, %add3A_71, %ge3A : i32
        %convert_element_type3A_107 = arith.extui %ge3A_106 : i1 to i32
        %cond3A_108 = arith.constant 0 : i32
        %cond3A_109 = arith.cmpi ne, %convert_element_type3A_107, %cond3A_108 : i32
        scf.if %cond3A_109 {
          %dma_wait3A_117 = arith.constant 0 : i32
          %dma_wait3A_118 = arith.constant 0 : i32
          %dma_wait3A_119 = tpu.memref_slice %arg2[%dma_wait3A_117, %dma_wait3A_118] : memref<10000x128xf32, #tpu.memory_space<hbm>> -> memref<80x128xf32, #tpu.memory_space<hbm>>
          %dma_wait3A_120 = arith.constant 0 : i32
          %dma_wait3A_121 = arith.constant 0 : i32
          %dma_wait3A_122 = tpu.memref_slice %arg2[%dma_wait3A_120, %dma_wait3A_121] : memref<10000x128xf32, #tpu.memory_space<hbm>> -> memref<80x128xf32, #tpu.memory_space<hbm>>
          tpu.wait_dma2 semaphore(%arg19 : memref<!tpu.dma_semaphore, #tpu.memory_space<semaphore_mem>>) src(%dma_wait3A_122 : memref<80x128xf32, #tpu.memory_space<hbm>>) dst(%arg12 : memref<80x128xf32, #tpu.memory_space<vmem>>)
        } else {
        }
        %add3A_110 = arith.constant 2 : i32
        %add3A_111 = arith.addi %add3A_71, %add3A_110 : i32
        %lt3A_112 = arith.constant 125 : i32
        %lt3A_113 = arith.cmpi slt, %add3A_111, %lt3A_112 : i32
        %convert_element_type3A_114 = arith.extui %lt3A_113 : i1 to i32
        %cond3A_115 = arith.constant 0 : i32
        %cond3A_116 = arith.cmpi ne, %convert_element_type3A_114, %cond3A_115 : i32
        scf.if %cond3A_116 {
          %add3A_117 = arith.constant 2 : i32
          %add3A_118 = arith.addi %add3A_71, %add3A_117 : i32
          %mul3A_119 = arith.constant 80 : i32
          %mul3A_120 = arith.muli %add3A_118, %mul3A_119 : i32
          %dma_start3A_121 = tpu.memref_slice %arg8[%mul3A_120] : memref<10000xi32, #tpu.memory_space<vmem>> -> memref<80xi32, #tpu.memory_space<vmem>>
          %dma_start3A_122 = arith.constant 0 : i32
          %dma_start3A_123 = arith.constant 0 : i32
          %dma_start3A_124 = tpu.memref_slice %arg2[%dma_start3A_122, %dma_start3A_123] : memref<10000x128xf32, #tpu.memory_space<hbm>> -> memref<10000x128xf32, #tpu.memory_space<hbm>>
          tpu.enqueue_indirect_dma source(%dma_start3A_124 : memref<10000x128xf32, #tpu.memory_space<hbm>>) target(%arg12 : memref<80x128xf32, #tpu.memory_space<vmem>>) offsets(%dma_start3A_121 : memref<80xi32, #tpu.memory_space<vmem>>) semaphore(%arg16 : memref<!tpu.dma_semaphore, #tpu.memory_space<semaphore_mem>>)
        } else {
        }
      } else {
      }
      %mul3A_76 = arith.constant 3 : i32
      %mul3A_77 = arith.muli %mul3A_76, %scan3A_67 : i32
      %add3A_78 = arith.constant 1 : i32
      %add3A_79 = arith.addi %mul3A_77, %add3A_78 : i32
      %lt3A_80 = arith.constant 125 : i32
      %lt3A_81 = arith.cmpi slt, %add3A_79, %lt3A_80 : i32
      %convert_element_type3A_82 = arith.extui %lt3A_81 : i1 to i32
      %cond3A_83 = arith.constant 0 : i32
      %cond3A_84 = arith.cmpi ne, %convert_element_type3A_82, %cond3A_83 : i32
      scf.if %cond3A_84 {
        %dma_wait3A_94 = arith.constant 0 : i32
        %dma_wait3A_95 = arith.constant 0 : i32
        %dma_wait3A_96 = tpu.memref_slice %arg2[%dma_wait3A_94, %dma_wait3A_95] : memref<10000x128xf32, #tpu.memory_space<hbm>> -> memref<80x128xf32, #tpu.memory_space<hbm>>
        %dma_wait3A_97 = arith.constant 0 : i32
        %dma_wait3A_98 = arith.constant 0 : i32
        %dma_wait3A_99 = tpu.memref_slice %arg2[%dma_wait3A_97, %dma_wait3A_98] : memref<10000x128xf32, #tpu.memory_space<hbm>> -> memref<80x128xf32, #tpu.memory_space<hbm>>
        tpu.wait_dma2 semaphore(%arg15 : memref<!tpu.dma_semaphore, #tpu.memory_space<semaphore_mem>>) src(%dma_wait3A_99 : memref<80x128xf32, #tpu.memory_space<hbm>>) dst(%arg11 : memref<80x128xf32, #tpu.memory_space<vmem>>)
        %mul3A_100 = arith.constant 80 : i32
        %mul3A_101 = arith.muli %add3A_79, %mul3A_100 : i32
        %dma_start3A_102 = tpu.memref_slice %arg9[%mul3A_101] : memref<10000xi32, #tpu.memory_space<vmem>> -> memref<80xi32, #tpu.memory_space<vmem>>
        %dma_start3A_103 = arith.constant 0 : i32
        %dma_start3A_104 = arith.constant 0 : i32
        %dma_start3A_105 = tpu.memref_slice %arg13[%dma_start3A_103, %dma_start3A_104] : memref<10000x128xf32, #tpu.memory_space<vmem_shared>> -> memref<10000x128xf32, #tpu.memory_space<vmem_shared>>
        tpu.enqueue_indirect_dma source(%arg11 : memref<80x128xf32, #tpu.memory_space<vmem>>) target(%dma_start3A_105 : memref<10000x128xf32, #tpu.memory_space<vmem_shared>>) offsets(%dma_start3A_102 : memref<80xi32, #tpu.memory_space<vmem>>) semaphore(%arg18 : memref<!tpu.dma_semaphore, #tpu.memory_space<semaphore_mem>>) {add = true}
        %ge3A = arith.constant 1 : i32
        %ge3A_106 = arith.cmpi sge, %add3A_79, %ge3A : i32
        %convert_element_type3A_107 = arith.extui %ge3A_106 : i1 to i32
        %cond3A_108 = arith.constant 0 : i32
        %cond3A_109 = arith.cmpi ne, %convert_element_type3A_107, %cond3A_108 : i32
        scf.if %cond3A_109 {
          %dma_wait3A_117 = arith.constant 0 : i32
          %dma_wait3A_118 = arith.constant 0 : i32
          %dma_wait3A_119 = tpu.memref_slice %arg2[%dma_wait3A_117, %dma_wait3A_118] : memref<10000x128xf32, #tpu.memory_space<hbm>> -> memref<80x128xf32, #tpu.memory_space<hbm>>
          %dma_wait3A_120 = arith.constant 0 : i32
          %dma_wait3A_121 = arith.constant 0 : i32
          %dma_wait3A_122 = tpu.memref_slice %arg2[%dma_wait3A_120, %dma_wait3A_121] : memref<10000x128xf32, #tpu.memory_space<hbm>> -> memref<80x128xf32, #tpu.memory_space<hbm>>
          tpu.wait_dma2 semaphore(%arg17 : memref<!tpu.dma_semaphore, #tpu.memory_space<semaphore_mem>>) src(%dma_wait3A_122 : memref<80x128xf32, #tpu.memory_space<hbm>>) dst(%arg10 : memref<80x128xf32, #tpu.memory_space<vmem>>)
        } else {
        }
        %add3A_110 = arith.constant 2 : i32
        %add3A_111 = arith.addi %add3A_79, %add3A_110 : i32
        %lt3A_112 = arith.constant 125 : i32
        %lt3A_113 = arith.cmpi slt, %add3A_111, %lt3A_112 : i32
        %convert_element_type3A_114 = arith.extui %lt3A_113 : i1 to i32
        %cond3A_115 = arith.constant 0 : i32
        %cond3A_116 = arith.cmpi ne, %convert_element_type3A_114, %cond3A_115 : i32
        scf.if %cond3A_116 {
          %add3A_117 = arith.constant 2 : i32
          %add3A_118 = arith.addi %add3A_79, %add3A_117 : i32
          %mul3A_119 = arith.constant 80 : i32
          %mul3A_120 = arith.muli %add3A_118, %mul3A_119 : i32
          %dma_start3A_121 = tpu.memref_slice %arg8[%mul3A_120] : memref<10000xi32, #tpu.memory_space<vmem>> -> memref<80xi32, #tpu.memory_space<vmem>>
          %dma_start3A_122 = arith.constant 0 : i32
          %dma_start3A_123 = arith.constant 0 : i32
          %dma_start3A_124 = tpu.memref_slice %arg2[%dma_start3A_122, %dma_start3A_123] : memref<10000x128xf32, #tpu.memory_space<hbm>> -> memref<10000x128xf32, #tpu.memory_space<hbm>>
          tpu.enqueue_indirect_dma source(%dma_start3A_124 : memref<10000x128xf32, #tpu.memory_space<hbm>>) target(%arg10 : memref<80x128xf32, #tpu.memory_space<vmem>>) offsets(%dma_start3A_121 : memref<80xi32, #tpu.memory_space<vmem>>) semaphore(%arg14 : memref<!tpu.dma_semaphore, #tpu.memory_space<semaphore_mem>>)
        } else {
        }
      } else {
      }
      %mul3A_85 = arith.constant 3 : i32
      %mul3A_86 = arith.muli %mul3A_85, %scan3A_67 : i32
      %add3A_87 = arith.constant 2 : i32
      %add3A_88 = arith.addi %mul3A_86, %add3A_87 : i32
      %lt3A_89 = arith.constant 125 : i32
      %lt3A_90 = arith.cmpi slt, %add3A_88, %lt3A_89 : i32
      %convert_element_type3A_91 = arith.extui %lt3A_90 : i1 to i32
      %cond3A_92 = arith.constant 0 : i32
      %cond3A_93 = arith.cmpi ne, %convert_element_type3A_91, %cond3A_92 : i32
      scf.if %cond3A_93 {
        %dma_wait3A_94 = arith.constant 0 : i32
        %dma_wait3A_95 = arith.constant 0 : i32
        %dma_wait3A_96 = tpu.memref_slice %arg2[%dma_wait3A_94, %dma_wait3A_95] : memref<10000x128xf32, #tpu.memory_space<hbm>> -> memref<80x128xf32, #tpu.memory_space<hbm>>
        %dma_wait3A_97 = arith.constant 0 : i32
        %dma_wait3A_98 = arith.constant 0 : i32
        %dma_wait3A_99 = tpu.memref_slice %arg2[%dma_wait3A_97, %dma_wait3A_98] : memref<10000x128xf32, #tpu.memory_space<hbm>> -> memref<80x128xf32, #tpu.memory_space<hbm>>
        tpu.wait_dma2 semaphore(%arg16 : memref<!tpu.dma_semaphore, #tpu.memory_space<semaphore_mem>>) src(%dma_wait3A_99 : memref<80x128xf32, #tpu.memory_space<hbm>>) dst(%arg12 : memref<80x128xf32, #tpu.memory_space<vmem>>)
        %mul3A_100 = arith.constant 80 : i32
        %mul3A_101 = arith.muli %add3A_88, %mul3A_100 : i32
        %dma_start3A_102 = tpu.memref_slice %arg9[%mul3A_101] : memref<10000xi32, #tpu.memory_space<vmem>> -> memref<80xi32, #tpu.memory_space<vmem>>
        %dma_start3A_103 = arith.constant 0 : i32
        %dma_start3A_104 = arith.constant 0 : i32
        %dma_start3A_105 = tpu.memref_slice %arg13[%dma_start3A_103, %dma_start3A_104] : memref<10000x128xf32, #tpu.memory_space<vmem_shared>> -> memref<10000x128xf32, #tpu.memory_space<vmem_shared>>
        tpu.enqueue_indirect_dma source(%arg12 : memref<80x128xf32, #tpu.memory_space<vmem>>) target(%dma_start3A_105 : memref<10000x128xf32, #tpu.memory_space<vmem_shared>>) offsets(%dma_start3A_102 : memref<80xi32, #tpu.memory_space<vmem>>) semaphore(%arg19 : memref<!tpu.dma_semaphore, #tpu.memory_space<semaphore_mem>>) {add = true}
        %ge3A = arith.constant 1 : i32
        %ge3A_106 = arith.cmpi sge, %add3A_88, %ge3A : i32
        %convert_element_type3A_107 = arith.extui %ge3A_106 : i1 to i32
        %cond3A_108 = arith.constant 0 : i32
        %cond3A_109 = arith.cmpi ne, %convert_element_type3A_107, %cond3A_108 : i32
        scf.if %cond3A_109 {
          %dma_wait3A_117 = arith.constant 0 : i32
          %dma_wait3A_118 = arith.constant 0 : i32
          %dma_wait3A_119 = tpu.memref_slice %arg2[%dma_wait3A_117, %dma_wait3A_118] : memref<10000x128xf32, #tpu.memory_space<hbm>> -> memref<80x128xf32, #tpu.memory_space<hbm>>
          %dma_wait3A_120 = arith.constant 0 : i32
          %dma_wait3A_121 = arith.constant 0 : i32
          %dma_wait3A_122 = tpu.memref_slice %arg2[%dma_wait3A_120, %dma_wait3A_121] : memref<10000x128xf32, #tpu.memory_space<hbm>> -> memref<80x128xf32, #tpu.memory_space<hbm>>
          tpu.wait_dma2 semaphore(%arg18 : memref<!tpu.dma_semaphore, #tpu.memory_space<semaphore_mem>>) src(%dma_wait3A_122 : memref<80x128xf32, #tpu.memory_space<hbm>>) dst(%arg11 : memref<80x128xf32, #tpu.memory_space<vmem>>)
        } else {
        }
        %add3A_110 = arith.constant 2 : i32
        %add3A_111 = arith.addi %add3A_88, %add3A_110 : i32
        %lt3A_112 = arith.constant 125 : i32
        %lt3A_113 = arith.cmpi slt, %add3A_111, %lt3A_112 : i32
        %convert_element_type3A_114 = arith.extui %lt3A_113 : i1 to i32
        %cond3A_115 = arith.constant 0 : i32
        %cond3A_116 = arith.cmpi ne, %convert_element_type3A_114, %cond3A_115 : i32
        scf.if %cond3A_116 {
          %add3A_117 = arith.constant 2 : i32
          %add3A_118 = arith.addi %add3A_88, %add3A_117 : i32
          %mul3A_119 = arith.constant 80 : i32
          %mul3A_120 = arith.muli %add3A_118, %mul3A_119 : i32
          %dma_start3A_121 = tpu.memref_slice %arg8[%mul3A_120] : memref<10000xi32, #tpu.memory_space<vmem>> -> memref<80xi32, #tpu.memory_space<vmem>>
          %dma_start3A_122 = arith.constant 0 : i32
          %dma_start3A_123 = arith.constant 0 : i32
          %dma_start3A_124 = tpu.memref_slice %arg2[%dma_start3A_122, %dma_start3A_123] : memref<10000x128xf32, #tpu.memory_space<hbm>> -> memref<10000x128xf32, #tpu.memory_space<hbm>>
          tpu.enqueue_indirect_dma source(%dma_start3A_124 : memref<10000x128xf32, #tpu.memory_space<hbm>>) target(%arg11 : memref<80x128xf32, #tpu.memory_space<vmem>>) offsets(%dma_start3A_121 : memref<80xi32, #tpu.memory_space<vmem>>) semaphore(%arg15 : memref<!tpu.dma_semaphore, #tpu.memory_space<semaphore_mem>>)
        } else {
        }
      } else {
      }
    }
    %scan3A_49 = arith.constant 42 : i32
    %dma_wait3A_50 = arith.constant 0 : i32
    %dma_wait3A_51 = arith.constant 0 : i32
    %dma_wait3A_52 = tpu.memref_slice %arg2[%dma_wait3A_50, %dma_wait3A_51] : memref<10000x128xf32, #tpu.memory_space<hbm>> -> memref<80x128xf32, #tpu.memory_space<hbm>>
    %dma_wait3A_53 = arith.constant 0 : i32
    %dma_wait3A_54 = arith.constant 0 : i32
    %dma_wait3A_55 = tpu.memref_slice %arg2[%dma_wait3A_53, %dma_wait3A_54] : memref<10000x128xf32, #tpu.memory_space<hbm>> -> memref<80x128xf32, #tpu.memory_space<hbm>>
    tpu.wait_dma2 semaphore(%arg18 : memref<!tpu.dma_semaphore, #tpu.memory_space<semaphore_mem>>) src(%dma_wait3A_55 : memref<80x128xf32, #tpu.memory_space<hbm>>) dst(%arg11 : memref<80x128xf32, #tpu.memory_space<vmem>>)
    %barrier3A_56 = arith.constant 0 : index
    tpu.barrier barrier_id(%barrier3A_56)
    %eq3A_57 = arith.constant 0 : i32
    %eq3A_58 = arith.cmpi eq, %arg0, %eq3A_57 : i32
    %convert_element_type3A_59 = arith.extui %eq3A_58 : i1 to i32
    %cond3A_60 = arith.constant 0 : i32
    %cond3A_61 = arith.cmpi ne, %convert_element_type3A_59, %cond3A_60 : i32
    scf.if %cond3A_61 {
      %mul3A_67 = arith.constant 624 : i32
      %mul3A_68 = arith.muli %arg1, %mul3A_67 : i32
      %mul3A_69 = arith.constant 624 : i32
      %mul3A_70 = arith.muli %arg1, %mul3A_69 : i32
      "tpu.region"() ({
        %run_scoped3A = tpu.sem_alloc : memref<!tpu.dma_semaphore, #tpu.memory_space<semaphore_mem>>
        %dma_start3A_76 = arith.constant 0 : i32
        %dma_start3A_77 = tpu.memref_slice %arg6[%mul3A_70, %dma_start3A_76] : memref<10000x128xf32, #tpu.memory_space<hbm>> -> memref<624x128xf32, #tpu.memory_space<hbm>>
        %dma_start3A_78 = arith.constant 0 : i32
        %dma_start3A_79 = tpu.memref_slice %arg13[%mul3A_68, %dma_start3A_78] : memref<10000x128xf32, #tpu.memory_space<vmem_shared>> -> memref<624x128xf32, #tpu.memory_space<vmem_shared>>
        tpu.enqueue_dma source(%dma_start3A_79 : memref<624x128xf32, #tpu.memory_space<vmem_shared>>) target(%dma_start3A_77 : memref<624x128xf32, #tpu.memory_space<hbm>>) target_semaphore(%run_scoped3A : memref<!tpu.dma_semaphore, #tpu.memory_space<semaphore_mem>>)
        %dma_wait3A_80 = arith.constant 0 : i32
        %dma_wait3A_81 = tpu.memref_slice %arg6[%mul3A_70, %dma_wait3A_80] : memref<10000x128xf32, #tpu.memory_space<hbm>> -> memref<624x128xf32, #tpu.memory_space<hbm>>
        %dma_wait3A_82 = arith.constant 0 : i32
        %dma_wait3A_83 = tpu.memref_slice %arg13[%mul3A_68, %dma_wait3A_82] : memref<10000x128xf32, #tpu.memory_space<vmem_shared>> -> memref<624x128xf32, #tpu.memory_space<vmem_shared>>
        tpu.wait_dma2 semaphore(%run_scoped3A : memref<!tpu.dma_semaphore, #tpu.memory_space<semaphore_mem>>) src(%dma_wait3A_83 : memref<624x128xf32, #tpu.memory_space<vmem_shared>>) dst(%dma_wait3A_81 : memref<624x128xf32, #tpu.memory_space<hbm>>)
        tpu.yield
      }) : () -> ()
      %eq3A_71 = arith.constant 15 : i32
      %eq3A_72 = arith.cmpi eq, %arg1, %eq3A_71 : i32
      %convert_element_type3A_73 = arith.extui %eq3A_72 : i1 to i32
      %cond3A_74 = arith.constant 0 : i32
      %cond3A_75 = arith.cmpi ne, %convert_element_type3A_73, %cond3A_74 : i32
      scf.if %cond3A_75 {
        "tpu.region"() ({
          %run_scoped3A = tpu.sem_alloc : memref<!tpu.dma_semaphore, #tpu.memory_space<semaphore_mem>>
          %dma_start3A_76 = arith.constant 9984 : i32
          %dma_start3A_77 = arith.constant 0 : i32
          %dma_start3A_78 = tpu.memref_slice %arg6[%dma_start3A_76, %dma_start3A_77] : memref<10000x128xf32, #tpu.memory_space<hbm>> -> memref<16x128xf32, #tpu.memory_space<hbm>>
          %dma_start3A_79 = arith.constant 9984 : i32
          %dma_start3A_80 = arith.constant 0 : i32
          %dma_start3A_81 = tpu.memref_slice %arg13[%dma_start3A_79, %dma_start3A_80] : memref<10000x128xf32, #tpu.memory_space<vmem_shared>> -> memref<16x128xf32, #tpu.memory_space<vmem_shared>>
          tpu.enqueue_dma source(%dma_start3A_81 : memref<16x128xf32, #tpu.memory_space<vmem_shared>>) target(%dma_start3A_78 : memref<16x128xf32, #tpu.memory_space<hbm>>) target_semaphore(%run_scoped3A : memref<!tpu.dma_semaphore, #tpu.memory_space<semaphore_mem>>)
          %dma_wait3A_82 = arith.constant 9984 : i32
          %dma_wait3A_83 = arith.constant 0 : i32
          %dma_wait3A_84 = tpu.memref_slice %arg6[%dma_wait3A_82, %dma_wait3A_83] : memref<10000x128xf32, #tpu.memory_space<hbm>> -> memref<16x128xf32, #tpu.memory_space<hbm>>
          %dma_wait3A_85 = arith.constant 9984 : i32
          %dma_wait3A_86 = arith.constant 0 : i32
          %dma_wait3A_87 = tpu.memref_slice %arg13[%dma_wait3A_85, %dma_wait3A_86] : memref<10000x128xf32, #tpu.memory_space<vmem_shared>> -> memref<16x128xf32, #tpu.memory_space<vmem_shared>>
          tpu.wait_dma2 semaphore(%run_scoped3A : memref<!tpu.dma_semaphore, #tpu.memory_space<semaphore_mem>>) src(%dma_wait3A_87 : memref<16x128xf32, #tpu.memory_space<vmem_shared>>) dst(%dma_wait3A_84 : memref<16x128xf32, #tpu.memory_space<hbm>>)
          tpu.yield
        }) : () -> ()
      } else {
      }
    } else {
    }
    %eq3A_62 = arith.constant 1 : i32
    %eq3A_63 = arith.cmpi eq, %arg0, %eq3A_62 : i32
    %convert_element_type3A_64 = arith.extui %eq3A_63 : i1 to i32
    %cond3A_65 = arith.constant 0 : i32
    %cond3A_66 = arith.cmpi ne, %convert_element_type3A_64, %cond3A_65 : i32
    scf.if %cond3A_66 {
      %mul3A_67 = arith.constant 624 : i32
      %mul3A_68 = arith.muli %arg1, %mul3A_67 : i32
      %mul3A_69 = arith.constant 624 : i32
      %mul3A_70 = arith.muli %arg1, %mul3A_69 : i32
      "tpu.region"() ({
        %run_scoped3A = tpu.sem_alloc : memref<!tpu.dma_semaphore, #tpu.memory_space<semaphore_mem>>
        %dma_start3A_76 = arith.constant 0 : i32
        %dma_start3A_77 = tpu.memref_slice %arg7[%mul3A_70, %dma_start3A_76] : memref<10000x128xf32, #tpu.memory_space<hbm>> -> memref<624x128xf32, #tpu.memory_space<hbm>>
        %dma_start3A_78 = arith.constant 0 : i32
        %dma_start3A_79 = tpu.memref_slice %arg13[%mul3A_68, %dma_start3A_78] : memref<10000x128xf32, #tpu.memory_space<vmem_shared>> -> memref<624x128xf32, #tpu.memory_space<vmem_shared>>
        tpu.enqueue_dma source(%dma_start3A_79 : memref<624x128xf32, #tpu.memory_space<vmem_shared>>) target(%dma_start3A_77 : memref<624x128xf32, #tpu.memory_space<hbm>>) target_semaphore(%run_scoped3A : memref<!tpu.dma_semaphore, #tpu.memory_space<semaphore_mem>>)
        %dma_wait3A_80 = arith.constant 0 : i32
        %dma_wait3A_81 = tpu.memref_slice %arg7[%mul3A_70, %dma_wait3A_80] : memref<10000x128xf32, #tpu.memory_space<hbm>> -> memref<624x128xf32, #tpu.memory_space<hbm>>
        %dma_wait3A_82 = arith.constant 0 : i32
        %dma_wait3A_83 = tpu.memref_slice %arg13[%mul3A_68, %dma_wait3A_82] : memref<10000x128xf32, #tpu.memory_space<vmem_shared>> -> memref<624x128xf32, #tpu.memory_space<vmem_shared>>
        tpu.wait_dma2 semaphore(%run_scoped3A : memref<!tpu.dma_semaphore, #tpu.memory_space<semaphore_mem>>) src(%dma_wait3A_83 : memref<624x128xf32, #tpu.memory_space<vmem_shared>>) dst(%dma_wait3A_81 : memref<624x128xf32, #tpu.memory_space<hbm>>)
        tpu.yield
      }) : () -> ()
      %eq3A_71 = arith.constant 15 : i32
      %eq3A_72 = arith.cmpi eq, %arg1, %eq3A_71 : i32
      %convert_element_type3A_73 = arith.extui %eq3A_72 : i1 to i32
      %cond3A_74 = arith.constant 0 : i32
      %cond3A_75 = arith.cmpi ne, %convert_element_type3A_73, %cond3A_74 : i32
      scf.if %cond3A_75 {
        "tpu.region"() ({
          %run_scoped3A = tpu.sem_alloc : memref<!tpu.dma_semaphore, #tpu.memory_space<semaphore_mem>>
          %dma_start3A_76 = arith.constant 9984 : i32
          %dma_start3A_77 = arith.constant 0 : i32
          %dma_start3A_78 = tpu.memref_slice %arg7[%dma_start3A_76, %dma_start3A_77] : memref<10000x128xf32, #tpu.memory_space<hbm>> -> memref<16x128xf32, #tpu.memory_space<hbm>>
          %dma_start3A_79 = arith.constant 9984 : i32
          %dma_start3A_80 = arith.constant 0 : i32
          %dma_start3A_81 = tpu.memref_slice %arg13[%dma_start3A_79, %dma_start3A_80] : memref<10000x128xf32, #tpu.memory_space<vmem_shared>> -> memref<16x128xf32, #tpu.memory_space<vmem_shared>>
          tpu.enqueue_dma source(%dma_start3A_81 : memref<16x128xf32, #tpu.memory_space<vmem_shared>>) target(%dma_start3A_78 : memref<16x128xf32, #tpu.memory_space<hbm>>) target_semaphore(%run_scoped3A : memref<!tpu.dma_semaphore, #tpu.memory_space<semaphore_mem>>)
          %dma_wait3A_82 = arith.constant 9984 : i32
          %dma_wait3A_83 = arith.constant 0 : i32
          %dma_wait3A_84 = tpu.memref_slice %arg7[%dma_wait3A_82, %dma_wait3A_83] : memref<10000x128xf32, #tpu.memory_space<hbm>> -> memref<16x128xf32, #tpu.memory_space<hbm>>
          %dma_wait3A_85 = arith.constant 9984 : i32
          %dma_wait3A_86 = arith.constant 0 : i32
          %dma_wait3A_87 = tpu.memref_slice %arg13[%dma_wait3A_85, %dma_wait3A_86] : memref<10000x128xf32, #tpu.memory_space<vmem_shared>> -> memref<16x128xf32, #tpu.memory_space<vmem_shared>>
          tpu.wait_dma2 semaphore(%run_scoped3A : memref<!tpu.dma_semaphore, #tpu.memory_space<semaphore_mem>>) src(%dma_wait3A_87 : memref<16x128xf32, #tpu.memory_space<vmem_shared>>) dst(%dma_wait3A_84 : memref<16x128xf32, #tpu.memory_space<hbm>>)
          tpu.yield
        }) : () -> ()
      } else {
      }
    } else {
    }
    return
  }
}

#map = affine_map<(d0, d1) -> (0, 0)>
#map1 = affine_map<(d0, d1) -> (0)>
module attributes {stable_mosaic.version = 14 : i64} {
  func.func @seg(%arg0: i32, %arg1: i32, %arg2: memref<10000x128xf32, #tpu.memory_space<hbm>>, %arg3: memref<320000xi32, #tpu.memory_space<hbm>>, %arg4: memref<320000xi32, #tpu.memory_space<hbm>>, %arg5: memref<10000x128xf32, #tpu.memory_space<hbm>>, %arg6: memref<10000x128xf32, #tpu.memory_space<hbm>>, %arg7: memref<10000x128xf32, #tpu.memory_space<hbm>>, %arg8: memref<10000xi32, #tpu.memory_space<vmem>>, %arg9: memref<10000xi32, #tpu.memory_space<vmem>>, %arg10: memref<80x128xf32, #tpu.memory_space<vmem>>, %arg11: memref<80x128xf32, #tpu.memory_space<vmem>>, %arg12: memref<80x128xf32, #tpu.memory_space<vmem>>, %arg13: memref<10000x128xf32, #tpu.memory_space<vmem_shared>>, %arg14: memref<!tpu.dma_semaphore, #tpu.memory_space<semaphore_mem>>, %arg15: memref<!tpu.dma_semaphore, #tpu.memory_space<semaphore_mem>>, %arg16: memref<!tpu.dma_semaphore, #tpu.memory_space<semaphore_mem>>, %arg17: memref<!tpu.dma_semaphore, #tpu.memory_space<semaphore_mem>>, %arg18: memref<!tpu.dma_semaphore, #tpu.memory_space<semaphore_mem>>, %arg19: memref<!tpu.dma_semaphore, #tpu.memory_space<semaphore_mem>>) attributes {dimension_semantics = [#tpu.dimension_semantics<core_parallel>, #tpu.dimension_semantics<subcore_parallel>], iteration_bounds = array<i64: 2, 16>, scalar_prefetch = 0 : i64, scratch_operands = 12 : i64, tpu.core_type = #tpu.core_type<sc_vector_subcore>, window_params = [{transform_indices = #map}, {transform_indices = #map1}, {transform_indices = #map1}, {transform_indices = #map}, {transform_indices = #map}, {transform_indices = #map}]} {
    %mul3A = arith.constant 16 : i32
    %mul3A_0 = arith.muli %arg0, %mul3A : i32
    %add3A = arith.addi %mul3A_0, %arg1 : i32
    %mul3A_1 = arith.constant 10000 : i32
    %mul3A_2 = arith.muli %add3A, %mul3A_1 : i32
    %dma_start3A = tpu.memref_slice %arg3[%mul3A_2] : memref<320000xi32, #tpu.memory_space<hbm>> -> memref<10000xi32, #tpu.memory_space<hbm>>
    %dma_start3A_3 = tpu.memref_slice %arg3[%mul3A_2] : memref<320000xi32, #tpu.memory_space<hbm>> -> memref<10000xi32, #tpu.memory_space<hbm>>
    tpu.enqueue_dma source(%dma_start3A_3 : memref<10000xi32, #tpu.memory_space<hbm>>) target(%arg8 : memref<10000xi32, #tpu.memory_space<vmem>>) target_semaphore(%arg17 : memref<!tpu.dma_semaphore, #tpu.memory_space<semaphore_mem>>)
    %dma_start3A_4 = tpu.memref_slice %arg4[%mul3A_2] : memref<320000xi32, #tpu.memory_space<hbm>> -> memref<10000xi32, #tpu.memory_space<hbm>>
    %dma_start3A_5 = tpu.memref_slice %arg4[%mul3A_2] : memref<320000xi32, #tpu.memory_space<hbm>> -> memref<10000xi32, #tpu.memory_space<hbm>>
    tpu.enqueue_dma source(%dma_start3A_5 : memref<10000xi32, #tpu.memory_space<hbm>>) target(%arg9 : memref<10000xi32, #tpu.memory_space<vmem>>) target_semaphore(%arg18 : memref<!tpu.dma_semaphore, #tpu.memory_space<semaphore_mem>>)
    %mul3A_6 = arith.constant 624 : i32
    %mul3A_7 = arith.muli %arg1, %mul3A_6 : i32
    %mul3A_8 = arith.constant 624 : i32
    %mul3A_9 = arith.muli %arg1, %mul3A_8 : i32
    %dma_start3A_10 = arith.constant 0 : i32
    %dma_start3A_11 = tpu.memref_slice %arg13[%mul3A_9, %dma_start3A_10] : memref<10000x128xf32, #tpu.memory_space<vmem_shared>> -> memref<624x128xf32, #tpu.memory_space<vmem_shared>>
    %dma_start3A_12 = arith.constant 0 : i32
    %dma_start3A_13 = tpu.memref_slice %arg5[%mul3A_7, %dma_start3A_12] : memref<10000x128xf32, #tpu.memory_space<hbm>> -> memref<624x128xf32, #tpu.memory_space<hbm>>
    tpu.enqueue_dma source(%dma_start3A_13 : memref<624x128xf32, #tpu.memory_space<hbm>>) target(%dma_start3A_11 : memref<624x128xf32, #tpu.memory_space<vmem_shared>>) target_semaphore(%arg19 : memref<!tpu.dma_semaphore, #tpu.memory_space<semaphore_mem>>)
    %eq3A = arith.constant 15 : i32
    %eq3A_14 = arith.cmpi eq, %arg1, %eq3A : i32
    %convert_element_type3A = arith.extui %eq3A_14 : i1 to i32
    %cond3A = arith.constant 0 : i32
    %cond3A_15 = arith.cmpi ne, %convert_element_type3A, %cond3A : i32
    scf.if %cond3A_15 {
      %dma_start3A_67 = arith.constant 9984 : i32
      %dma_start3A_68 = arith.constant 0 : i32
      %dma_start3A_69 = tpu.memref_slice %arg13[%dma_start3A_67, %dma_start3A_68] : memref<10000x128xf32, #tpu.memory_space<vmem_shared>> -> memref<16x128xf32, #tpu.memory_space<vmem_shared>>
      %dma_start3A_70 = arith.constant 9984 : i32
      %dma_start3A_71 = arith.constant 0 : i32
      %dma_start3A_72 = tpu.memref_slice %arg5[%dma_start3A_70, %dma_start3A_71] : memref<10000x128xf32, #tpu.memory_space<hbm>> -> memref<16x128xf32, #tpu.memory_space<hbm>>
      tpu.enqueue_dma source(%dma_start3A_72 : memref<16x128xf32, #tpu.memory_space<hbm>>) target(%dma_start3A_69 : memref<16x128xf32, #tpu.memory_space<vmem_shared>>) target_semaphore(%arg19 : memref<!tpu.dma_semaphore, #tpu.memory_space<semaphore_mem>>)
    } else {
    }
    %dma_wait3A = arith.constant 0 : i32
    %dma_wait3A_16 = tpu.memref_slice %arg3[%dma_wait3A] : memref<320000xi32, #tpu.memory_space<hbm>> -> memref<10000xi32, #tpu.memory_space<hbm>>
    %dma_wait3A_17 = arith.constant 0 : i32
    %dma_wait3A_18 = tpu.memref_slice %arg3[%dma_wait3A_17] : memref<320000xi32, #tpu.memory_space<hbm>> -> memref<10000xi32, #tpu.memory_space<hbm>>
    tpu.wait_dma2 semaphore(%arg17 : memref<!tpu.dma_semaphore, #tpu.memory_space<semaphore_mem>>) src(%dma_wait3A_18 : memref<10000xi32, #tpu.memory_space<hbm>>) dst(%arg8 : memref<10000xi32, #tpu.memory_space<vmem>>)
    %dma_start3A_19 = arith.constant 0 : i32
    %dma_start3A_20 = tpu.memref_slice %arg8[%dma_start3A_19] : memref<10000xi32, #tpu.memory_space<vmem>> -> memref<80xi32, #tpu.memory_space<vmem>>
    %dma_start3A_21 = arith.constant 0 : i32
    %dma_start3A_22 = arith.constant 0 : i32
    %dma_start3A_23 = tpu.memref_slice %arg2[%dma_start3A_21, %dma_start3A_22] : memref<10000x128xf32, #tpu.memory_space<hbm>> -> memref<10000x128xf32, #tpu.memory_space<hbm>>
    tpu.enqueue_indirect_dma source(%dma_start3A_23 : memref<10000x128xf32, #tpu.memory_space<hbm>>) target(%arg10 : memref<80x128xf32, #tpu.memory_space<vmem>>) offsets(%dma_start3A_20 : memref<80xi32, #tpu.memory_space<vmem>>) semaphore(%arg14 : memref<!tpu.dma_semaphore, #tpu.memory_space<semaphore_mem>>)
    %dma_start3A_24 = arith.constant 80 : i32
    %dma_start3A_25 = tpu.memref_slice %arg8[%dma_start3A_24] : memref<10000xi32, #tpu.memory_space<vmem>> -> memref<80xi32, #tpu.memory_space<vmem>>
    %dma_start3A_26 = arith.constant 0 : i32
    %dma_start3A_27 = arith.constant 0 : i32
    %dma_start3A_28 = tpu.memref_slice %arg2[%dma_start3A_26, %dma_start3A_27] : memref<10000x128xf32, #tpu.memory_space<hbm>> -> memref<10000x128xf32, #tpu.memory_space<hbm>>
    tpu.enqueue_indirect_dma source(%dma_start3A_28 : memref<10000x128xf32, #tpu.memory_space<hbm>>) target(%arg11 : memref<80x128xf32, #tpu.memory_space<vmem>>) offsets(%dma_start3A_25 : memref<80xi32, #tpu.memory_space<vmem>>) semaphore(%arg15 : memref<!tpu.dma_semaphore, #tpu.memory_space<semaphore_mem>>)
    %dma_wait3A_29 = arith.constant 0 : i32
    %dma_wait3A_30 = tpu.memref_slice %arg4[%dma_wait3A_29] : memref<320000xi32, #tpu.memory_space<hbm>> -> memref<10000xi32, #tpu.memory_space<hbm>>
    %dma_wait3A_31 = arith.constant 0 : i32
    %dma_wait3A_32 = tpu.memref_slice %arg4[%dma_wait3A_31] : memref<320000xi32, #tpu.memory_space<hbm>> -> memref<10000xi32, #tpu.memory_space<hbm>>
    tpu.wait_dma2 semaphore(%arg18 : memref<!tpu.dma_semaphore, #tpu.memory_space<semaphore_mem>>) src(%dma_wait3A_32 : memref<10000xi32, #tpu.memory_space<hbm>>) dst(%arg9 : memref<10000xi32, #tpu.memory_space<vmem>>)
    %mul3A_33 = arith.constant 624 : i32
    %mul3A_34 = arith.muli %arg1, %mul3A_33 : i32
    %dma_wait3A_35 = arith.constant 0 : i32
    %dma_wait3A_36 = tpu.memref_slice %arg13[%mul3A_34, %dma_wait3A_35] : memref<10000x128xf32, #tpu.memory_space<vmem_shared>> -> memref<624x128xf32, #tpu.memory_space<vmem_shared>>
    %dma_wait3A_37 = arith.constant 0 : i32
    %dma_wait3A_38 = arith.constant 0 : i32
    %dma_wait3A_39 = tpu.memref_slice %arg5[%dma_wait3A_37, %dma_wait3A_38] : memref<10000x128xf32, #tpu.memory_space<hbm>> -> memref<624x128xf32, #tpu.memory_space<hbm>>
    tpu.wait_dma2 semaphore(%arg19 : memref<!tpu.dma_semaphore, #tpu.memory_space<semaphore_mem>>) src(%dma_wait3A_39 : memref<624x128xf32, #tpu.memory_space<hbm>>) dst(%dma_wait3A_36 : memref<624x128xf32, #tpu.memory_space<vmem_shared>>)
    %eq3A_40 = arith.constant 15 : i32
    %eq3A_41 = arith.cmpi eq, %arg1, %eq3A_40 : i32
    %convert_element_type3A_42 = arith.extui %eq3A_41 : i1 to i32
    %cond3A_43 = arith.constant 0 : i32
    %cond3A_44 = arith.cmpi ne, %convert_element_type3A_42, %cond3A_43 : i32
    scf.if %cond3A_44 {
      %dma_wait3A_67 = arith.constant 9984 : i32
      %dma_wait3A_68 = arith.constant 0 : i32
      %dma_wait3A_69 = tpu.memref_slice %arg13[%dma_wait3A_67, %dma_wait3A_68] : memref<10000x128xf32, #tpu.memory_space<vmem_shared>> -> memref<16x128xf32, #tpu.memory_space<vmem_shared>>
      %dma_wait3A_70 = arith.constant 0 : i32
      %dma_wait3A_71 = arith.constant 0 : i32
      %dma_wait3A_72 = tpu.memref_slice %arg5[%dma_wait3A_70, %dma_wait3A_71] : memref<10000x128xf32, #tpu.memory_space<hbm>> -> memref<16x128xf32, #tpu.memory_space<hbm>>
      tpu.wait_dma2 semaphore(%arg19 : memref<!tpu.dma_semaphore, #tpu.memory_space<semaphore_mem>>) src(%dma_wait3A_72 : memref<16x128xf32, #tpu.memory_space<hbm>>) dst(%dma_wait3A_69 : memref<16x128xf32, #tpu.memory_space<vmem_shared>>)
    } else {
    }
    %barrier3A = arith.constant 0 : index
    tpu.barrier barrier_id(%barrier3A)
    %scan3A = arith.constant 0 : i32
    %scan3A_45 = arith.constant 0 : i32
    %scan3A_46 = arith.constant 42 : i32
    %scan3A_47 = arith.addi %scan3A_45, %scan3A_46 : i32
    %scan3A_48 = arith.constant 1 : i32
    scf.for %scan3A_67 = %scan3A_45 to %scan3A_47 step %scan3A_48  : i32 {
      %mul3A_68 = arith.constant 3 : i32
      %mul3A_69 = arith.muli %mul3A_68, %scan3A_67 : i32
      %add3A_70 = arith.constant 0 : i32
      %add3A_71 = arith.addi %mul3A_69, %add3A_70 : i32
      %lt3A = arith.constant 125 : i32
      %lt3A_72 = arith.cmpi slt, %add3A_71, %lt3A : i32
      %convert_element_type3A_73 = arith.extui %lt3A_72 : i1 to i32
      %cond3A_74 = arith.constant 0 : i32
      %cond3A_75 = arith.cmpi ne, %convert_element_type3A_73, %cond3A_74 : i32
      scf.if %cond3A_75 {
        %dma_wait3A_94 = arith.constant 0 : i32
        %dma_wait3A_95 = arith.constant 0 : i32
        %dma_wait3A_96 = tpu.memref_slice %arg2[%dma_wait3A_94, %dma_wait3A_95] : memref<10000x128xf32, #tpu.memory_space<hbm>> -> memref<80x128xf32, #tpu.memory_space<hbm>>
        %dma_wait3A_97 = arith.constant 0 : i32
        %dma_wait3A_98 = arith.constant 0 : i32
        %dma_wait3A_99 = tpu.memref_slice %arg2[%dma_wait3A_97, %dma_wait3A_98] : memref<10000x128xf32, #tpu.memory_space<hbm>> -> memref<80x128xf32, #tpu.memory_space<hbm>>
        tpu.wait_dma2 semaphore(%arg14 : memref<!tpu.dma_semaphore, #tpu.memory_space<semaphore_mem>>) src(%dma_wait3A_99 : memref<80x128xf32, #tpu.memory_space<hbm>>) dst(%arg10 : memref<80x128xf32, #tpu.memory_space<vmem>>)
        %mul3A_100 = arith.constant 80 : i32
        %mul3A_101 = arith.muli %add3A_71, %mul3A_100 : i32
        %dma_start3A_102 = tpu.memref_slice %arg9[%mul3A_101] : memref<10000xi32, #tpu.memory_space<vmem>> -> memref<80xi32, #tpu.memory_space<vmem>>
        %dma_start3A_103 = arith.constant 0 : i32
        %dma_start3A_104 = arith.constant 0 : i32
        %dma_start3A_105 = tpu.memref_slice %arg13[%dma_start3A_103, %dma_start3A_104] : memref<10000x128xf32, #tpu.memory_space<vmem_shared>> -> memref<10000x128xf32, #tpu.memory_space<vmem_shared>>
        tpu.enqueue_indirect_dma source(%arg10 : memref<80x128xf32, #tpu.memory_space<vmem>>) target(%dma_start3A_105 : memref<10000x128xf32, #tpu.memory_space<vmem_shared>>) offsets(%dma_start3A_102 : memref<80xi32, #tpu.memory_space<vmem>>) semaphore(%arg17 : memref<!tpu.dma_semaphore, #tpu.memory_space<semaphore_mem>>) {add = true}
        %ge3A = arith.constant 1 : i32
        %ge3A_106 = arith.cmpi sge, %add3A_71, %ge3A : i32
        %convert_element_type3A_107 = arith.extui %ge3A_106 : i1 to i32
        %cond3A_108 = arith.constant 0 : i32
        %cond3A_109 = arith.cmpi ne, %convert_element_type3A_107, %cond3A_108 : i32
        scf.if %cond3A_109 {
          %dma_wait3A_117 = arith.constant 0 : i32
          %dma_wait3A_118 = arith.constant 0 : i32
          %dma_wait3A_119 = tpu.memref_slice %arg2[%dma_wait3A_117, %dma_wait3A_118] : memref<10000x128xf32, #tpu.memory_space<hbm>> -> memref<80x128xf32, #tpu.memory_space<hbm>>
          %dma_wait3A_120 = arith.constant 0 : i32
          %dma_wait3A_121 = arith.constant 0 : i32
          %dma_wait3A_122 = tpu.memref_slice %arg2[%dma_wait3A_120, %dma_wait3A_121] : memref<10000x128xf32, #tpu.memory_space<hbm>> -> memref<80x128xf32, #tpu.memory_space<hbm>>
          tpu.wait_dma2 semaphore(%arg19 : memref<!tpu.dma_semaphore, #tpu.memory_space<semaphore_mem>>) src(%dma_wait3A_122 : memref<80x128xf32, #tpu.memory_space<hbm>>) dst(%arg12 : memref<80x128xf32, #tpu.memory_space<vmem>>)
        } else {
        }
        %add3A_110 = arith.constant 2 : i32
        %add3A_111 = arith.addi %add3A_71, %add3A_110 : i32
        %lt3A_112 = arith.constant 125 : i32
        %lt3A_113 = arith.cmpi slt, %add3A_111, %lt3A_112 : i32
        %convert_element_type3A_114 = arith.extui %lt3A_113 : i1 to i32
        %cond3A_115 = arith.constant 0 : i32
        %cond3A_116 = arith.cmpi ne, %convert_element_type3A_114, %cond3A_115 : i32
        scf.if %cond3A_116 {
          %add3A_117 = arith.constant 2 : i32
          %add3A_118 = arith.addi %add3A_71, %add3A_117 : i32
          %mul3A_119 = arith.constant 80 : i32
          %mul3A_120 = arith.muli %add3A_118, %mul3A_119 : i32
          %dma_start3A_121 = tpu.memref_slice %arg8[%mul3A_120] : memref<10000xi32, #tpu.memory_space<vmem>> -> memref<80xi32, #tpu.memory_space<vmem>>
          %dma_start3A_122 = arith.constant 0 : i32
          %dma_start3A_123 = arith.constant 0 : i32
          %dma_start3A_124 = tpu.memref_slice %arg2[%dma_start3A_122, %dma_start3A_123] : memref<10000x128xf32, #tpu.memory_space<hbm>> -> memref<10000x128xf32, #tpu.memory_space<hbm>>
          tpu.enqueue_indirect_dma source(%dma_start3A_124 : memref<10000x128xf32, #tpu.memory_space<hbm>>) target(%arg12 : memref<80x128xf32, #tpu.memory_space<vmem>>) offsets(%dma_start3A_121 : memref<80xi32, #tpu.memory_space<vmem>>) semaphore(%arg16 : memref<!tpu.dma_semaphore, #tpu.memory_space<semaphore_mem>>)
        } else {
        }
      } else {
      }
      %mul3A_76 = arith.constant 3 : i32
      %mul3A_77 = arith.muli %mul3A_76, %scan3A_67 : i32
      %add3A_78 = arith.constant 1 : i32
      %add3A_79 = arith.addi %mul3A_77, %add3A_78 : i32
      %lt3A_80 = arith.constant 125 : i32
      %lt3A_81 = arith.cmpi slt, %add3A_79, %lt3A_80 : i32
      %convert_element_type3A_82 = arith.extui %lt3A_81 : i1 to i32
      %cond3A_83 = arith.constant 0 : i32
      %cond3A_84 = arith.cmpi ne, %convert_element_type3A_82, %cond3A_83 : i32
      scf.if %cond3A_84 {
        %dma_wait3A_94 = arith.constant 0 : i32
        %dma_wait3A_95 = arith.constant 0 : i32
        %dma_wait3A_96 = tpu.memref_slice %arg2[%dma_wait3A_94, %dma_wait3A_95] : memref<10000x128xf32, #tpu.memory_space<hbm>> -> memref<80x128xf32, #tpu.memory_space<hbm>>
        %dma_wait3A_97 = arith.constant 0 : i32
        %dma_wait3A_98 = arith.constant 0 : i32
        %dma_wait3A_99 = tpu.memref_slice %arg2[%dma_wait3A_97, %dma_wait3A_98] : memref<10000x128xf32, #tpu.memory_space<hbm>> -> memref<80x128xf32, #tpu.memory_space<hbm>>
        tpu.wait_dma2 semaphore(%arg15 : memref<!tpu.dma_semaphore, #tpu.memory_space<semaphore_mem>>) src(%dma_wait3A_99 : memref<80x128xf32, #tpu.memory_space<hbm>>) dst(%arg11 : memref<80x128xf32, #tpu.memory_space<vmem>>)
        %mul3A_100 = arith.constant 80 : i32
        %mul3A_101 = arith.muli %add3A_79, %mul3A_100 : i32
        %dma_start3A_102 = tpu.memref_slice %arg9[%mul3A_101] : memref<10000xi32, #tpu.memory_space<vmem>> -> memref<80xi32, #tpu.memory_space<vmem>>
        %dma_start3A_103 = arith.constant 0 : i32
        %dma_start3A_104 = arith.constant 0 : i32
        %dma_start3A_105 = tpu.memref_slice %arg13[%dma_start3A_103, %dma_start3A_104] : memref<10000x128xf32, #tpu.memory_space<vmem_shared>> -> memref<10000x128xf32, #tpu.memory_space<vmem_shared>>
        tpu.enqueue_indirect_dma source(%arg11 : memref<80x128xf32, #tpu.memory_space<vmem>>) target(%dma_start3A_105 : memref<10000x128xf32, #tpu.memory_space<vmem_shared>>) offsets(%dma_start3A_102 : memref<80xi32, #tpu.memory_space<vmem>>) semaphore(%arg18 : memref<!tpu.dma_semaphore, #tpu.memory_space<semaphore_mem>>) {add = true}
        %ge3A = arith.constant 1 : i32
        %ge3A_106 = arith.cmpi sge, %add3A_79, %ge3A : i32
        %convert_element_type3A_107 = arith.extui %ge3A_106 : i1 to i32
        %cond3A_108 = arith.constant 0 : i32
        %cond3A_109 = arith.cmpi ne, %convert_element_type3A_107, %cond3A_108 : i32
        scf.if %cond3A_109 {
          %dma_wait3A_117 = arith.constant 0 : i32
          %dma_wait3A_118 = arith.constant 0 : i32
          %dma_wait3A_119 = tpu.memref_slice %arg2[%dma_wait3A_117, %dma_wait3A_118] : memref<10000x128xf32, #tpu.memory_space<hbm>> -> memref<80x128xf32, #tpu.memory_space<hbm>>
          %dma_wait3A_120 = arith.constant 0 : i32
          %dma_wait3A_121 = arith.constant 0 : i32
          %dma_wait3A_122 = tpu.memref_slice %arg2[%dma_wait3A_120, %dma_wait3A_121] : memref<10000x128xf32, #tpu.memory_space<hbm>> -> memref<80x128xf32, #tpu.memory_space<hbm>>
          tpu.wait_dma2 semaphore(%arg17 : memref<!tpu.dma_semaphore, #tpu.memory_space<semaphore_mem>>) src(%dma_wait3A_122 : memref<80x128xf32, #tpu.memory_space<hbm>>) dst(%arg10 : memref<80x128xf32, #tpu.memory_space<vmem>>)
        } else {
        }
        %add3A_110 = arith.constant 2 : i32
        %add3A_111 = arith.addi %add3A_79, %add3A_110 : i32
        %lt3A_112 = arith.constant 125 : i32
        %lt3A_113 = arith.cmpi slt, %add3A_111, %lt3A_112 : i32
        %convert_element_type3A_114 = arith.extui %lt3A_113 : i1 to i32
        %cond3A_115 = arith.constant 0 : i32
        %cond3A_116 = arith.cmpi ne, %convert_element_type3A_114, %cond3A_115 : i32
        scf.if %cond3A_116 {
          %add3A_117 = arith.constant 2 : i32
          %add3A_118 = arith.addi %add3A_79, %add3A_117 : i32
          %mul3A_119 = arith.constant 80 : i32
          %mul3A_120 = arith.muli %add3A_118, %mul3A_119 : i32
          %dma_start3A_121 = tpu.memref_slice %arg8[%mul3A_120] : memref<10000xi32, #tpu.memory_space<vmem>> -> memref<80xi32, #tpu.memory_space<vmem>>
          %dma_start3A_122 = arith.constant 0 : i32
          %dma_start3A_123 = arith.constant 0 : i32
          %dma_start3A_124 = tpu.memref_slice %arg2[%dma_start3A_122, %dma_start3A_123] : memref<10000x128xf32, #tpu.memory_space<hbm>> -> memref<10000x128xf32, #tpu.memory_space<hbm>>
          tpu.enqueue_indirect_dma source(%dma_start3A_124 : memref<10000x128xf32, #tpu.memory_space<hbm>>) target(%arg10 : memref<80x128xf32, #tpu.memory_space<vmem>>) offsets(%dma_start3A_121 : memref<80xi32, #tpu.memory_space<vmem>>) semaphore(%arg14 : memref<!tpu.dma_semaphore, #tpu.memory_space<semaphore_mem>>)
        } else {
        }
      } else {
      }
      %mul3A_85 = arith.constant 3 : i32
      %mul3A_86 = arith.muli %mul3A_85, %scan3A_67 : i32
      %add3A_87 = arith.constant 2 : i32
      %add3A_88 = arith.addi %mul3A_86, %add3A_87 : i32
      %lt3A_89 = arith.constant 125 : i32
      %lt3A_90 = arith.cmpi slt, %add3A_88, %lt3A_89 : i32
      %convert_element_type3A_91 = arith.extui %lt3A_90 : i1 to i32
      %cond3A_92 = arith.constant 0 : i32
      %cond3A_93 = arith.cmpi ne, %convert_element_type3A_91, %cond3A_92 : i32
      scf.if %cond3A_93 {
        %dma_wait3A_94 = arith.constant 0 : i32
        %dma_wait3A_95 = arith.constant 0 : i32
        %dma_wait3A_96 = tpu.memref_slice %arg2[%dma_wait3A_94, %dma_wait3A_95] : memref<10000x128xf32, #tpu.memory_space<hbm>> -> memref<80x128xf32, #tpu.memory_space<hbm>>
        %dma_wait3A_97 = arith.constant 0 : i32
        %dma_wait3A_98 = arith.constant 0 : i32
        %dma_wait3A_99 = tpu.memref_slice %arg2[%dma_wait3A_97, %dma_wait3A_98] : memref<10000x128xf32, #tpu.memory_space<hbm>> -> memref<80x128xf32, #tpu.memory_space<hbm>>
        tpu.wait_dma2 semaphore(%arg16 : memref<!tpu.dma_semaphore, #tpu.memory_space<semaphore_mem>>) src(%dma_wait3A_99 : memref<80x128xf32, #tpu.memory_space<hbm>>) dst(%arg12 : memref<80x128xf32, #tpu.memory_space<vmem>>)
        %mul3A_100 = arith.constant 80 : i32
        %mul3A_101 = arith.muli %add3A_88, %mul3A_100 : i32
        %dma_start3A_102 = tpu.memref_slice %arg9[%mul3A_101] : memref<10000xi32, #tpu.memory_space<vmem>> -> memref<80xi32, #tpu.memory_space<vmem>>
        %dma_start3A_103 = arith.constant 0 : i32
        %dma_start3A_104 = arith.constant 0 : i32
        %dma_start3A_105 = tpu.memref_slice %arg13[%dma_start3A_103, %dma_start3A_104] : memref<10000x128xf32, #tpu.memory_space<vmem_shared>> -> memref<10000x128xf32, #tpu.memory_space<vmem_shared>>
        tpu.enqueue_indirect_dma source(%arg12 : memref<80x128xf32, #tpu.memory_space<vmem>>) target(%dma_start3A_105 : memref<10000x128xf32, #tpu.memory_space<vmem_shared>>) offsets(%dma_start3A_102 : memref<80xi32, #tpu.memory_space<vmem>>) semaphore(%arg19 : memref<!tpu.dma_semaphore, #tpu.memory_space<semaphore_mem>>) {add = true}
        %ge3A = arith.constant 1 : i32
        %ge3A_106 = arith.cmpi sge, %add3A_88, %ge3A : i32
        %convert_element_type3A_107 = arith.extui %ge3A_106 : i1 to i32
        %cond3A_108 = arith.constant 0 : i32
        %cond3A_109 = arith.cmpi ne, %convert_element_type3A_107, %cond3A_108 : i32
        scf.if %cond3A_109 {
          %dma_wait3A_117 = arith.constant 0 : i32
          %dma_wait3A_118 = arith.constant 0 : i32
          %dma_wait3A_119 = tpu.memref_slice %arg2[%dma_wait3A_117, %dma_wait3A_118] : memref<10000x128xf32, #tpu.memory_space<hbm>> -> memref<80x128xf32, #tpu.memory_space<hbm>>
          %dma_wait3A_120 = arith.constant 0 : i32
          %dma_wait3A_121 = arith.constant 0 : i32
          %dma_wait3A_122 = tpu.memref_slice %arg2[%dma_wait3A_120, %dma_wait3A_121] : memref<10000x128xf32, #tpu.memory_space<hbm>> -> memref<80x128xf32, #tpu.memory_space<hbm>>
          tpu.wait_dma2 semaphore(%arg18 : memref<!tpu.dma_semaphore, #tpu.memory_space<semaphore_mem>>) src(%dma_wait3A_122 : memref<80x128xf32, #tpu.memory_space<hbm>>) dst(%arg11 : memref<80x128xf32, #tpu.memory_space<vmem>>)
        } else {
        }
        %add3A_110 = arith.constant 2 : i32
        %add3A_111 = arith.addi %add3A_88, %add3A_110 : i32
        %lt3A_112 = arith.constant 125 : i32
        %lt3A_113 = arith.cmpi slt, %add3A_111, %lt3A_112 : i32
        %convert_element_type3A_114 = arith.extui %lt3A_113 : i1 to i32
        %cond3A_115 = arith.constant 0 : i32
        %cond3A_116 = arith.cmpi ne, %convert_element_type3A_114, %cond3A_115 : i32
        scf.if %cond3A_116 {
          %add3A_117 = arith.constant 2 : i32
          %add3A_118 = arith.addi %add3A_88, %add3A_117 : i32
          %mul3A_119 = arith.constant 80 : i32
          %mul3A_120 = arith.muli %add3A_118, %mul3A_119 : i32
          %dma_start3A_121 = tpu.memref_slice %arg8[%mul3A_120] : memref<10000xi32, #tpu.memory_space<vmem>> -> memref<80xi32, #tpu.memory_space<vmem>>
          %dma_start3A_122 = arith.constant 0 : i32
          %dma_start3A_123 = arith.constant 0 : i32
          %dma_start3A_124 = tpu.memref_slice %arg2[%dma_start3A_122, %dma_start3A_123] : memref<10000x128xf32, #tpu.memory_space<hbm>> -> memref<10000x128xf32, #tpu.memory_space<hbm>>
          tpu.enqueue_indirect_dma source(%dma_start3A_124 : memref<10000x128xf32, #tpu.memory_space<hbm>>) target(%arg11 : memref<80x128xf32, #tpu.memory_space<vmem>>) offsets(%dma_start3A_121 : memref<80xi32, #tpu.memory_space<vmem>>) semaphore(%arg15 : memref<!tpu.dma_semaphore, #tpu.memory_space<semaphore_mem>>)
        } else {
        }
      } else {
      }
    }
    %scan3A_49 = arith.constant 42 : i32
    %dma_wait3A_50 = arith.constant 0 : i32
    %dma_wait3A_51 = arith.constant 0 : i32
    %dma_wait3A_52 = tpu.memref_slice %arg2[%dma_wait3A_50, %dma_wait3A_51] : memref<10000x128xf32, #tpu.memory_space<hbm>> -> memref<80x128xf32, #tpu.memory_space<hbm>>
    %dma_wait3A_53 = arith.constant 0 : i32
    %dma_wait3A_54 = arith.constant 0 : i32
    %dma_wait3A_55 = tpu.memref_slice %arg2[%dma_wait3A_53, %dma_wait3A_54] : memref<10000x128xf32, #tpu.memory_space<hbm>> -> memref<80x128xf32, #tpu.memory_space<hbm>>
    tpu.wait_dma2 semaphore(%arg18 : memref<!tpu.dma_semaphore, #tpu.memory_space<semaphore_mem>>) src(%dma_wait3A_55 : memref<80x128xf32, #tpu.memory_space<hbm>>) dst(%arg11 : memref<80x128xf32, #tpu.memory_space<vmem>>)
    %barrier3A_56 = arith.constant 0 : index
    tpu.barrier barrier_id(%barrier3A_56)
    %eq3A_57 = arith.constant 0 : i32
    %eq3A_58 = arith.cmpi eq, %arg0, %eq3A_57 : i32
    %convert_element_type3A_59 = arith.extui %eq3A_58 : i1 to i32
    %cond3A_60 = arith.constant 0 : i32
    %cond3A_61 = arith.cmpi ne, %convert_element_type3A_59, %cond3A_60 : i32
    scf.if %cond3A_61 {
      %mul3A_67 = arith.constant 624 : i32
      %mul3A_68 = arith.muli %arg1, %mul3A_67 : i32
      %mul3A_69 = arith.constant 624 : i32
      %mul3A_70 = arith.muli %arg1, %mul3A_69 : i32
      "tpu.region"() ({
        %run_scoped3A = tpu.sem_alloc : memref<!tpu.dma_semaphore, #tpu.memory_space<semaphore_mem>>
        %dma_start3A_76 = arith.constant 0 : i32
        %dma_start3A_77 = tpu.memref_slice %arg6[%mul3A_70, %dma_start3A_76] : memref<10000x128xf32, #tpu.memory_space<hbm>> -> memref<624x128xf32, #tpu.memory_space<hbm>>
        %dma_start3A_78 = arith.constant 0 : i32
        %dma_start3A_79 = tpu.memref_slice %arg13[%mul3A_68, %dma_start3A_78] : memref<10000x128xf32, #tpu.memory_space<vmem_shared>> -> memref<624x128xf32, #tpu.memory_space<vmem_shared>>
        tpu.enqueue_dma source(%dma_start3A_79 : memref<624x128xf32, #tpu.memory_space<vmem_shared>>) target(%dma_start3A_77 : memref<624x128xf32, #tpu.memory_space<hbm>>) target_semaphore(%run_scoped3A : memref<!tpu.dma_semaphore, #tpu.memory_space<semaphore_mem>>)
        %dma_wait3A_80 = arith.constant 0 : i32
        %dma_wait3A_81 = tpu.memref_slice %arg6[%mul3A_70, %dma_wait3A_80] : memref<10000x128xf32, #tpu.memory_space<hbm>> -> memref<624x128xf32, #tpu.memory_space<hbm>>
        %dma_wait3A_82 = arith.constant 0 : i32
        %dma_wait3A_83 = tpu.memref_slice %arg13[%mul3A_68, %dma_wait3A_82] : memref<10000x128xf32, #tpu.memory_space<vmem_shared>> -> memref<624x128xf32, #tpu.memory_space<vmem_shared>>
        tpu.wait_dma2 semaphore(%run_scoped3A : memref<!tpu.dma_semaphore, #tpu.memory_space<semaphore_mem>>) src(%dma_wait3A_83 : memref<624x128xf32, #tpu.memory_space<vmem_shared>>) dst(%dma_wait3A_81 : memref<624x128xf32, #tpu.memory_space<hbm>>)
        tpu.yield
      }) : () -> ()
      %eq3A_71 = arith.constant 15 : i32
      %eq3A_72 = arith.cmpi eq, %arg1, %eq3A_71 : i32
      %convert_element_type3A_73 = arith.extui %eq3A_72 : i1 to i32
      %cond3A_74 = arith.constant 0 : i32
      %cond3A_75 = arith.cmpi ne, %convert_element_type3A_73, %cond3A_74 : i32
      scf.if %cond3A_75 {
        "tpu.region"() ({
          %run_scoped3A = tpu.sem_alloc : memref<!tpu.dma_semaphore, #tpu.memory_space<semaphore_mem>>
          %dma_start3A_76 = arith.constant 9984 : i32
          %dma_start3A_77 = arith.constant 0 : i32
          %dma_start3A_78 = tpu.memref_slice %arg6[%dma_start3A_76, %dma_start3A_77] : memref<10000x128xf32, #tpu.memory_space<hbm>> -> memref<16x128xf32, #tpu.memory_space<hbm>>
          %dma_start3A_79 = arith.constant 9984 : i32
          %dma_start3A_80 = arith.constant 0 : i32
          %dma_start3A_81 = tpu.memref_slice %arg13[%dma_start3A_79, %dma_start3A_80] : memref<10000x128xf32, #tpu.memory_space<vmem_shared>> -> memref<16x128xf32, #tpu.memory_space<vmem_shared>>
          tpu.enqueue_dma source(%dma_start3A_81 : memref<16x128xf32, #tpu.memory_space<vmem_shared>>) target(%dma_start3A_78 : memref<16x128xf32, #tpu.memory_space<hbm>>) target_semaphore(%run_scoped3A : memref<!tpu.dma_semaphore, #tpu.memory_space<semaphore_mem>>)
          %dma_wait3A_82 = arith.constant 9984 : i32
          %dma_wait3A_83 = arith.constant 0 : i32
          %dma_wait3A_84 = tpu.memref_slice %arg6[%dma_wait3A_82, %dma_wait3A_83] : memref<10000x128xf32, #tpu.memory_space<hbm>> -> memref<16x128xf32, #tpu.memory_space<hbm>>
          %dma_wait3A_85 = arith.constant 9984 : i32
          %dma_wait3A_86 = arith.constant 0 : i32
          %dma_wait3A_87 = tpu.memref_slice %arg13[%dma_wait3A_85, %dma_wait3A_86] : memref<10000x128xf32, #tpu.memory_space<vmem_shared>> -> memref<16x128xf32, #tpu.memory_space<vmem_shared>>
          tpu.wait_dma2 semaphore(%run_scoped3A : memref<!tpu.dma_semaphore, #tpu.memory_space<semaphore_mem>>) src(%dma_wait3A_87 : memref<16x128xf32, #tpu.memory_space<vmem_shared>>) dst(%dma_wait3A_84 : memref<16x128xf32, #tpu.memory_space<hbm>>)
          tpu.yield
        }) : () -> ()
      } else {
      }
    } else {
    }
    %eq3A_62 = arith.constant 1 : i32
    %eq3A_63 = arith.cmpi eq, %arg0, %eq3A_62 : i32
    %convert_element_type3A_64 = arith.extui %eq3A_63 : i1 to i32
    %cond3A_65 = arith.constant 0 : i32
    %cond3A_66 = arith.cmpi ne, %convert_element_type3A_64, %cond3A_65 : i32
    scf.if %cond3A_66 {
      %mul3A_67 = arith.constant 624 : i32
      %mul3A_68 = arith.muli %arg1, %mul3A_67 : i32
      %mul3A_69 = arith.constant 624 : i32
      %mul3A_70 = arith.muli %arg1, %mul3A_69 : i32
      "tpu.region"() ({
        %run_scoped3A = tpu.sem_alloc : memref<!tpu.dma_semaphore, #tpu.memory_space<semaphore_mem>>
        %dma_start3A_76 = arith.constant 0 : i32
        %dma_start3A_77 = tpu.memref_slice %arg7[%mul3A_70, %dma_start3A_76] : memref<10000x128xf32, #tpu.memory_space<hbm>> -> memref<624x128xf32, #tpu.memory_space<hbm>>
        %dma_start3A_78 = arith.constant 0 : i32
        %dma_start3A_79 = tpu.memref_slice %arg13[%mul3A_68, %dma_start3A_78] : memref<10000x128xf32, #tpu.memory_space<vmem_shared>> -> memref<624x128xf32, #tpu.memory_space<vmem_shared>>
        tpu.enqueue_dma source(%dma_start3A_79 : memref<624x128xf32, #tpu.memory_space<vmem_shared>>) target(%dma_start3A_77 : memref<624x128xf32, #tpu.memory_space<hbm>>) target_semaphore(%run_scoped3A : memref<!tpu.dma_semaphore, #tpu.memory_space<semaphore_mem>>)
        %dma_wait3A_80 = arith.constant 0 : i32
        %dma_wait3A_81 = tpu.memref_slice %arg7[%mul3A_70, %dma_wait3A_80] : memref<10000x128xf32, #tpu.memory_space<hbm>> -> memref<624x128xf32, #tpu.memory_space<hbm>>
        %dma_wait3A_82 = arith.constant 0 : i32
        %dma_wait3A_83 = tpu.memref_slice %arg13[%mul3A_68, %dma_wait3A_82] : memref<10000x128xf32, #tpu.memory_space<vmem_shared>> -> memref<624x128xf32, #tpu.memory_space<vmem_shared>>
        tpu.wait_dma2 semaphore(%run_scoped3A : memref<!tpu.dma_semaphore, #tpu.memory_space<semaphore_mem>>) src(%dma_wait3A_83 : memref<624x128xf32, #tpu.memory_space<vmem_shared>>) dst(%dma_wait3A_81 : memref<624x128xf32, #tpu.memory_space<hbm>>)
        tpu.yield
      }) : () -> ()
      %eq3A_71 = arith.constant 15 : i32
      %eq3A_72 = arith.cmpi eq, %arg1, %eq3A_71 : i32
      %convert_element_type3A_73 = arith.extui %eq3A_72 : i1 to i32
      %cond3A_74 = arith.constant 0 : i32
      %cond3A_75 = arith.cmpi ne, %convert_element_type3A_73, %cond3A_74 : i32
      scf.if %cond3A_75 {
        "tpu.region"() ({
          %run_scoped3A = tpu.sem_alloc : memref<!tpu.dma_semaphore, #tpu.memory_space<semaphore_mem>>
          %dma_start3A_76 = arith.constant 9984 : i32
          %dma_start3A_77 = arith.constant 0 : i32
          %dma_start3A_78 = tpu.memref_slice %arg7[%dma_start3A_76, %dma_start3A_77] : memref<10000x128xf32, #tpu.memory_space<hbm>> -> memref<16x128xf32, #tpu.memory_space<hbm>>
          %dma_start3A_79 = arith.constant 9984 : i32
          %dma_start3A_80 = arith.constant 0 : i32
          %dma_start3A_81 = tpu.memref_slice %arg13[%dma_start3A_79, %dma_start3A_80] : memref<10000x128xf32, #tpu.memory_space<vmem_shared>> -> memref<16x128xf32, #tpu.memory_space<vmem_shared>>
          tpu.enqueue_dma source(%dma_start3A_81 : memref<16x128xf32, #tpu.memory_space<vmem_shared>>) target(%dma_start3A_78 : memref<16x128xf32, #tpu.memory_space<hbm>>) target_semaphore(%run_scoped3A : memref<!tpu.dma_semaphore, #tpu.memory_space<semaphore_mem>>)
          %dma_wait3A_82 = arith.constant 9984 : i32
          %dma_wait3A_83 = arith.constant 0 : i32
          %dma_wait3A_84 = tpu.memref_slice %arg7[%dma_wait3A_82, %dma_wait3A_83] : memref<10000x128xf32, #tpu.memory_space<hbm>> -> memref<16x128xf32, #tpu.memory_space<hbm>>
          %dma_wait3A_85 = arith.constant 9984 : i32
          %dma_wait3A_86 = arith.constant 0 : i32
          %dma_wait3A_87 = tpu.memref_slice %arg13[%dma_wait3A_85, %dma_wait3A_86] : memref<10000x128xf32, #tpu.memory_space<vmem_shared>> -> memref<16x128xf32, #tpu.memory_space<vmem_shared>>
          tpu.wait_dma2 semaphore(%run_scoped3A : memref<!tpu.dma_semaphore, #tpu.memory_space<semaphore_mem>>) src(%dma_wait3A_87 : memref<16x128xf32, #tpu.memory_space<vmem_shared>>) dst(%dma_wait3A_84 : memref<16x128xf32, #tpu.memory_space<hbm>>)
          tpu.yield
        }) : () -> ()
      } else {
      }
    } else {
    }
    return
  }
}

module attributes {stable_mosaic.version = 14 : i64} {
  func.func @body(%arg0: i32, %arg1: i32, %arg2: memref<1x1xf32, #tpu.memory_space<smem>>, %arg3: memref<2000x128xf32, #tpu.memory_space<vmem>>, %arg4: memref<2000x128xf32, #tpu.memory_space<vmem>>, %arg5: memref<2000x128xf32, #tpu.memory_space<vmem>>, %arg6: memref<128x256xf32, #tpu.memory_space<vmem>>, %arg7: memref<1x256xf32, #tpu.memory_space<vmem>>, %arg8: memref<1x256xf32, #tpu.memory_space<vmem>>, %arg9: memref<1x256xf32, #tpu.memory_space<vmem>>, %arg10: memref<256x128xf32, #tpu.memory_space<vmem>>, %arg11: memref<1x128xf32, #tpu.memory_space<vmem>>, %arg12: memref<2000x128xf32, #tpu.memory_space<vmem>>, %arg13: memref<10000x256xf32, #tpu.memory_space<vmem>>, %arg14: memref<2x256xf32, #tpu.memory_space<vmem>>) attributes {dimension_semantics = [#tpu.dimension_semantics<arbitrary>, #tpu.dimension_semantics<arbitrary>], iteration_bounds = array<i64: 2, 5>, scalar_prefetch = 0 : i64, scratch_operands = 2 : i64, tpu.core_type = #tpu.core_type<tc>, window_params = [{transform_indices = @transform_0, window_bounds = array<i64: 1, 1>}, {transform_indices = @transform_1, window_bounds = array<i64: 2000, 128>}, {transform_indices = @transform_2, window_bounds = array<i64: 2000, 128>}, {transform_indices = @transform_3, window_bounds = array<i64: 2000, 128>}, {pipeline_mode = #tpu.pipeline_mode<synchronous>, transform_indices = @transform_4, window_bounds = array<i64: 128, 256>}, {pipeline_mode = #tpu.pipeline_mode<synchronous>, transform_indices = @transform_5, window_bounds = array<i64: 1, 256>}, {pipeline_mode = #tpu.pipeline_mode<synchronous>, transform_indices = @transform_6, window_bounds = array<i64: 1, 256>}, {pipeline_mode = #tpu.pipeline_mode<synchronous>, transform_indices = @transform_7, window_bounds = array<i64: 1, 256>}, {pipeline_mode = #tpu.pipeline_mode<synchronous>, transform_indices = @transform_8, window_bounds = array<i64: 256, 128>}, {pipeline_mode = #tpu.pipeline_mode<synchronous>, transform_indices = @transform_9, window_bounds = array<i64: 1, 128>}, {transform_indices = @transform_10, window_bounds = array<i64: 2000, 128>}]} {
    %eq3A = arith.constant 0 : i32
    %eq3A_0 = arith.cmpi eq, %arg0, %eq3A : i32
    %convert_element_type3A = arith.extui %eq3A_0 : i1 to i32
    %cond3A = arith.constant 0 : i32
    %cond3A_1 = arith.cmpi ne, %convert_element_type3A, %cond3A : i32
    scf.if %cond3A_1 {
      %get3A = arith.constant 0 : index
      %get3A_7 = arith.constant 0 : index
      %get3A_8 = memref.load %arg2[%get3A, %get3A_7] : memref<1x1xf32, #tpu.memory_space<smem>>
      %add3A = arith.constant 1.000000e+00 : f32
      %add3A_9 = arith.addf %add3A, %get3A_8 : f32
      %get3A_10 = arith.constant 0 : index
      %get3A_11 = arith.constant 0 : index
      %get3A_12 = vector.load %arg3[%get3A_10, %get3A_11] : memref<2000x128xf32, #tpu.memory_space<vmem>>, vector<2000x128xf32>
      %mul3A = vector.broadcast %add3A_9 : f32 to vector<2000x128xf32>
      %mul3A_13 = arith.mulf %mul3A, %get3A_12 : vector<2000x128xf32>
      %get3A_14 = arith.constant 0 : index
      %get3A_15 = arith.constant 0 : index
      %get3A_16 = vector.load %arg4[%get3A_14, %get3A_15] : memref<2000x128xf32, #tpu.memory_space<vmem>>, vector<2000x128xf32>
      %add3A_17 = arith.addf %mul3A_13, %get3A_16 : vector<2000x128xf32>
      %get3A_18 = arith.constant 0 : index
      %get3A_19 = arith.constant 0 : index
      %get3A_20 = vector.load %arg5[%get3A_18, %get3A_19] : memref<2000x128xf32, #tpu.memory_space<vmem>>, vector<2000x128xf32>
      %add3A_21 = arith.addf %add3A_17, %get3A_20 : vector<2000x128xf32>
      %get3A_22 = arith.constant 0 : index
      %get3A_23 = arith.constant 0 : index
      %get3A_24 = vector.load %arg6[%get3A_22, %get3A_23] : memref<128x256xf32, #tpu.memory_space<vmem>>, vector<128x256xf32>
      %dot_general3A = arith.constant dense<0.000000e+00> : vector<2000x256xf32>
      %dot_general3A_25 = tpu.matmul %add3A_21, %get3A_24, %dot_general3A {dimension_numbers = #tpu.dot_dimension_numbers<[1], [0], [0], [1], [0, 0, 1, 1], [], []>, transpose_lhs_hint = false} : vector<2000x128xf32>, vector<128x256xf32>, vector<2000x256xf32> -> vector<2000x256xf32>
      %get3A_26 = arith.constant 0 : index
      %get3A_27 = arith.constant 0 : index
      %get3A_28 = vector.load %arg7[%get3A_26, %get3A_27] : memref<1x256xf32, #tpu.memory_space<vmem>>, vector<1x256xf32>
      %add3A_29 = vector.broadcast %get3A_28 : vector<1x256xf32> to vector<2000x256xf32>
      %add3A_30 = arith.addf %dot_general3A_25, %add3A_29 : vector<2000x256xf32>
      %mul3A_31 = arith.constant 2000 : i32
      %mul3A_32 = arith.muli %arg1, %mul3A_31 : i32
      %swap3A = arith.index_cast %mul3A_32 : i32 to index
      %swap3A_33 = arith.constant 0 : index
      %swap3A_34 = vector.load %arg13[%swap3A, %swap3A_33] : memref<10000x256xf32, #tpu.memory_space<vmem>>, vector<2000x256xf32>
      tpu.vector_store %arg13[%swap3A, %swap3A_33], %add3A_30 {strides = array<i32>} : memref<10000x256xf32, #tpu.memory_space<vmem>>, vector<2000x256xf32>,
      %reduce_sum3A = arith.constant dense<0.000000e+00> : vector<256xf32>
      %reduce_sum3A_35 = vector.multi_reduction <add>, %add3A_30, %reduce_sum3A [0] : vector<2000x256xf32> to vector<256xf32>
      %broadcast_in_dim3A = vector.shape_cast %reduce_sum3A_35 : vector<256xf32> to vector<1x256xf32>
      %mul3A_36 = arith.mulf %add3A_30, %add3A_30 : vector<2000x256xf32>
      %reduce_sum3A_37 = arith.constant dense<0.000000e+00> : vector<256xf32>
      %reduce_sum3A_38 = vector.multi_reduction <add>, %mul3A_36, %reduce_sum3A_37 [0] : vector<2000x256xf32> to vector<256xf32>
      %broadcast_in_dim3A_39 = vector.shape_cast %reduce_sum3A_38 : vector<256xf32> to vector<1x256xf32>
      %concatenate3A = tpu.concatenate %broadcast_in_dim3A, %broadcast_in_dim3A_39 in 0 : vector<1x256xf32>, vector<1x256xf32> -> vector<2x256xf32>
      %eq3A_40 = arith.constant 0 : i32
      %eq3A_41 = arith.cmpi eq, %arg1, %eq3A_40 : i32
      %convert_element_type3A_42 = arith.extui %eq3A_41 : i1 to i32
      %cond3A_43 = arith.constant 0 : i32
      %cond3A_44 = arith.cmpi ne, %convert_element_type3A_42, %cond3A_43 : i32
      scf.if %cond3A_44 {
        %broadcast_in_dim3A_52 = arith.constant 0.000000e+00 : f32
        %broadcast_in_dim3A_53 = vector.broadcast %broadcast_in_dim3A_52 : f32 to vector<2x256xf32>
        %swap3A_54 = arith.constant 0 : index
        %swap3A_55 = arith.constant 0 : index
        %swap3A_56 = vector.load %arg14[%swap3A_54, %swap3A_55] : memref<2x256xf32, #tpu.memory_space<vmem>>, vector<2x256xf32>
        tpu.vector_store %arg14[%swap3A_54, %swap3A_55], %broadcast_in_dim3A_53 {strides = array<i32>} : memref<2x256xf32, #tpu.memory_space<vmem>>, vector<2x256xf32>,
      } else {
      }
      %get3A_45 = arith.constant 0 : index
      %get3A_46 = arith.constant 0 : index
      %get3A_47 = vector.load %arg14[%get3A_45, %get3A_46] : memref<2x256xf32, #tpu.memory_space<vmem>>, vector<2x256xf32>
      %add3A_48 = arith.addf %get3A_47, %concatenate3A : vector<2x256xf32>
      %swap3A_49 = arith.constant 0 : index
      %swap3A_50 = arith.constant 0 : index
      %swap3A_51 = vector.load %arg14[%swap3A_49, %swap3A_50] : memref<2x256xf32, #tpu.memory_space<vmem>>, vector<2x256xf32>
      tpu.vector_store %arg14[%swap3A_49, %swap3A_50], %add3A_48 {strides = array<i32>} : memref<2x256xf32, #tpu.memory_space<vmem>>, vector<2x256xf32>,
    } else {
    }
    %eq3A_2 = arith.constant 1 : i32
    %eq3A_3 = arith.cmpi eq, %arg0, %eq3A_2 : i32
    %convert_element_type3A_4 = arith.extui %eq3A_3 : i1 to i32
    %cond3A_5 = arith.constant 0 : i32
    %cond3A_6 = arith.cmpi ne, %convert_element_type3A_4, %cond3A_5 : i32
    scf.if %cond3A_6 {
      %get3A = arith.constant 0 : index
      %get3A_7 = arith.constant 0 : index
      %get3A_8 = vector.load %arg14[%get3A, %get3A_7] : memref<2x256xf32, #tpu.memory_space<vmem>>, vector<1x256xf32>
      %mul3A = arith.constant 9.99999974E-5 : f32
      %mul3A_9 = vector.broadcast %mul3A : f32 to vector<1x256xf32>
      %mul3A_10 = arith.mulf %get3A_8, %mul3A_9 : vector<1x256xf32>
      %get3A_11 = arith.constant 1 : index
      %get3A_12 = arith.constant 0 : index
      %get3A_13 = vector.load %arg14[%get3A_11, %get3A_12] : memref<2x256xf32, #tpu.memory_space<vmem>>, vector<1x256xf32>
      %mul3A_14 = arith.constant 9.99999974E-5 : f32
      %mul3A_15 = vector.broadcast %mul3A_14 : f32 to vector<1x256xf32>
      %mul3A_16 = arith.mulf %get3A_13, %mul3A_15 : vector<1x256xf32>
      %mul3A_17 = arith.mulf %mul3A_10, %mul3A_10 : vector<1x256xf32>
      %sub3A = arith.subf %mul3A_16, %mul3A_17 : vector<1x256xf32>
      %add3A = arith.constant 9.99999974E-6 : f32
      %add3A_18 = vector.broadcast %add3A : f32 to vector<1x256xf32>
      %add3A_19 = arith.addf %sub3A, %add3A_18 : vector<1x256xf32>
      %rsqrt3A = math.rsqrt %add3A_19 : vector<1x256xf32>
      %get3A_20 = arith.constant 0 : index
      %get3A_21 = arith.constant 0 : index
      %get3A_22 = vector.load %arg8[%get3A_20, %get3A_21] : memref<1x256xf32, #tpu.memory_space<vmem>>, vector<1x256xf32>
      %mul3A_23 = arith.mulf %rsqrt3A, %get3A_22 : vector<1x256xf32>
      %mul3A_24 = arith.constant 2000 : i32
      %mul3A_25 = arith.muli %arg1, %mul3A_24 : i32
      %get3A_26 = arith.index_cast %mul3A_25 : i32 to index
      %get3A_27 = arith.constant 0 : index
      %get3A_28 = vector.load %arg13[%get3A_26, %get3A_27] : memref<10000x256xf32, #tpu.memory_space<vmem>>, vector<2000x256xf32>
      %sub3A_29 = vector.broadcast %mul3A_10 : vector<1x256xf32> to vector<2000x256xf32>
      %sub3A_30 = arith.subf %get3A_28, %sub3A_29 : vector<2000x256xf32>
      %mul3A_31 = vector.broadcast %mul3A_23 : vector<1x256xf32> to vector<2000x256xf32>
      %mul3A_32 = arith.mulf %sub3A_30, %mul3A_31 : vector<2000x256xf32>
      %get3A_33 = arith.constant 0 : index
      %get3A_34 = arith.constant 0 : index
      %get3A_35 = vector.load %arg9[%get3A_33, %get3A_34] : memref<1x256xf32, #tpu.memory_space<vmem>>, vector<1x256xf32>
      %add3A_36 = vector.broadcast %get3A_35 : vector<1x256xf32> to vector<2000x256xf32>
      %add3A_37 = arith.addf %mul3A_32, %add3A_36 : vector<2000x256xf32>
      %max3A = arith.constant 0.000000e+00 : f32
      %max3A_38 = vector.broadcast %max3A : f32 to vector<2000x256xf32>
      %max3A_39 = arith.maximumf %add3A_37, %max3A_38 : vector<2000x256xf32>
      %get3A_40 = arith.constant 0 : index
      %get3A_41 = arith.constant 0 : index
      %get3A_42 = vector.load %arg10[%get3A_40, %get3A_41] : memref<256x128xf32, #tpu.memory_space<vmem>>, vector<256x128xf32>
      %dot_general3A = arith.constant dense<0.000000e+00> : vector<2000x128xf32>
      %dot_general3A_43 = tpu.matmul %max3A_39, %get3A_42, %dot_general3A {dimension_numbers = #tpu.dot_dimension_numbers<[1], [0], [0], [1], [0, 0, 1, 1], [], []>, transpose_lhs_hint = false} : vector<2000x256xf32>, vector<256x128xf32>, vector<2000x128xf32> -> vector<2000x128xf32>
      %get3A_44 = arith.constant 0 : index
      %get3A_45 = arith.constant 0 : index
      %get3A_46 = vector.load %arg11[%get3A_44, %get3A_45] : memref<1x128xf32, #tpu.memory_space<vmem>>, vector<1x128xf32>
      %add3A_47 = vector.broadcast %get3A_46 : vector<1x128xf32> to vector<2000x128xf32>
      %add3A_48 = arith.addf %dot_general3A_43, %add3A_47 : vector<2000x128xf32>
      %swap3A = arith.constant 0 : index
      %swap3A_49 = arith.constant 0 : index
      %swap3A_50 = vector.load %arg12[%swap3A, %swap3A_49] : memref<2000x128xf32, #tpu.memory_space<vmem>>, vector<2000x128xf32>
      tpu.vector_store %arg12[%swap3A, %swap3A_49], %add3A_48 {strides = array<i32>} : memref<2000x128xf32, #tpu.memory_space<vmem>>, vector<2000x128xf32>,
    } else {
    }
    return
  }
  func.func @transform_0(%arg0: i32, %arg1: i32) -> (i32, i32) {
    %c0_i32 = arith.constant 0 : i32
    %c0_i32_0 = arith.constant 0 : i32
    %c0_i32_1 = arith.constant 0 : i32
    return %c0_i32, %c0_i32_0 : i32, i32
  }
  func.func @transform_1(%arg0: i32, %arg1: i32) -> (i32, i32) {
    %eq3A = arith.constant 0 : i32
    %eq3A_0 = arith.cmpi eq, %arg0, %eq3A : i32
    %jit3A = arith.constant 0 : i32
    %select_n3A = arith.select %eq3A_0, %arg1, %jit3A : i32
    %c0_i32 = arith.constant 0 : i32
    %c0_i32_1 = arith.constant 0 : i32
    return %select_n3A, %c0_i32 : i32, i32
  }
  func.func @transform_2(%arg0: i32, %arg1: i32) -> (i32, i32) {
    %eq3A = arith.constant 0 : i32
    %eq3A_0 = arith.cmpi eq, %arg0, %eq3A : i32
    %jit3A = arith.constant 0 : i32
    %select_n3A = arith.select %eq3A_0, %arg1, %jit3A : i32
    %c0_i32 = arith.constant 0 : i32
    %c0_i32_1 = arith.constant 0 : i32
    return %select_n3A, %c0_i32 : i32, i32
  }
  func.func @transform_3(%arg0: i32, %arg1: i32) -> (i32, i32) {
    %eq3A = arith.constant 0 : i32
    %eq3A_0 = arith.cmpi eq, %arg0, %eq3A : i32
    %jit3A = arith.constant 0 : i32
    %select_n3A = arith.select %eq3A_0, %arg1, %jit3A : i32
    %c0_i32 = arith.constant 0 : i32
    %c0_i32_1 = arith.constant 0 : i32
    return %select_n3A, %c0_i32 : i32, i32
  }
  func.func @transform_4(%arg0: i32, %arg1: i32) -> (i32, i32) {
    %c0_i32 = arith.constant 0 : i32
    %c0_i32_0 = arith.constant 0 : i32
    %c0_i32_1 = arith.constant 0 : i32
    return %c0_i32, %c0_i32_0 : i32, i32
  }
  func.func @transform_5(%arg0: i32, %arg1: i32) -> (i32, i32) {
    %c0_i32 = arith.constant 0 : i32
    %c0_i32_0 = arith.constant 0 : i32
    %c0_i32_1 = arith.constant 0 : i32
    return %c0_i32, %c0_i32_0 : i32, i32
  }
  func.func @transform_6(%arg0: i32, %arg1: i32) -> (i32, i32) {
    %c0_i32 = arith.constant 0 : i32
    %c0_i32_0 = arith.constant 0 : i32
    %c0_i32_1 = arith.constant 0 : i32
    return %c0_i32, %c0_i32_0 : i32, i32
  }
  func.func @transform_7(%arg0: i32, %arg1: i32) -> (i32, i32) {
    %c0_i32 = arith.constant 0 : i32
    %c0_i32_0 = arith.constant 0 : i32
    %c0_i32_1 = arith.constant 0 : i32
    return %c0_i32, %c0_i32_0 : i32, i32
  }
  func.func @transform_8(%arg0: i32, %arg1: i32) -> (i32, i32) {
    %c0_i32 = arith.constant 0 : i32
    %c0_i32_0 = arith.constant 0 : i32
    %c0_i32_1 = arith.constant 0 : i32
    return %c0_i32, %c0_i32_0 : i32, i32
  }
  func.func @transform_9(%arg0: i32, %arg1: i32) -> (i32, i32) {
    %c0_i32 = arith.constant 0 : i32
    %c0_i32_0 = arith.constant 0 : i32
    %c0_i32_1 = arith.constant 0 : i32
    return %c0_i32, %c0_i32_0 : i32, i32
  }
  func.func @transform_10(%arg0: i32, %arg1: i32) -> (i32, i32) {
    %eq3A = arith.constant 1 : i32
    %eq3A_0 = arith.cmpi eq, %arg0, %eq3A : i32
    %jit3A = arith.constant 0 : i32
    %select_n3A = arith.select %eq3A_0, %arg1, %jit3A : i32
    %c0_i32 = arith.constant 0 : i32
    %c0_i32_1 = arith.constant 0 : i32
    return %select_n3A, %c0_i32 : i32, i32
  }
}

module attributes {stable_mosaic.version = 14 : i64} {
  func.func @body(%arg0: i32, %arg1: memref<2000x128xf32, #tpu.memory_space<vmem>>, %arg2: memref<128x128xf32, #tpu.memory_space<vmem>>, %arg3: memref<1x128xf32, #tpu.memory_space<vmem>>, %arg4: memref<2x320000xi32, #tpu.memory_space<vmem>>, %arg5: memref<2000x128xf32, #tpu.memory_space<vmem>>, %arg6: memref<2000x128xf32, #tpu.memory_space<vmem>>, %arg7: memref<320000xi32, #tpu.memory_space<vmem>>, %arg8: memref<320000xi32, #tpu.memory_space<vmem>>) attributes {dimension_semantics = [#tpu.dimension_semantics<arbitrary>], iteration_bounds = array<i64: 5>, scalar_prefetch = 0 : i64, scratch_operands = 0 : i64, tpu.core_type = #tpu.core_type<tc>, window_params = [{transform_indices = @transform_0, window_bounds = array<i64: 2000, 128>}, {pipeline_mode = #tpu.pipeline_mode<synchronous>, transform_indices = @transform_1, window_bounds = array<i64: 128, 128>}, {pipeline_mode = #tpu.pipeline_mode<synchronous>, transform_indices = @transform_2, window_bounds = array<i64: 1, 128>}, {pipeline_mode = #tpu.pipeline_mode<synchronous>, transform_indices = @transform_3, window_bounds = array<i64: 2, 320000>}, {transform_indices = @transform_4, window_bounds = array<i64: 2000, 128>}, {transform_indices = @transform_5, window_bounds = array<i64: 2000, 128>}, {pipeline_mode = #tpu.pipeline_mode<synchronous>, transform_indices = @transform_6, window_bounds = array<i64: 320000>}, {pipeline_mode = #tpu.pipeline_mode<synchronous>, transform_indices = @transform_7, window_bounds = array<i64: 320000>}]} {
    %get3A = arith.constant 0 : index
    %get3A_0 = arith.constant 0 : index
    %get3A_1 = vector.load %arg1[%get3A, %get3A_0] : memref<2000x128xf32, #tpu.memory_space<vmem>>, vector<2000x128xf32>
    %get3A_2 = arith.constant 0 : index
    %get3A_3 = arith.constant 0 : index
    %get3A_4 = vector.load %arg2[%get3A_2, %get3A_3] : memref<128x128xf32, #tpu.memory_space<vmem>>, vector<128x128xf32>
    %dot_general3A = arith.constant dense<0.000000e+00> : vector<2000x128xf32>
    %dot_general3A_5 = tpu.matmul %get3A_1, %get3A_4, %dot_general3A {dimension_numbers = #tpu.dot_dimension_numbers<[1], [0], [0], [1], [0, 0, 1, 1], [], []>, transpose_lhs_hint = false} : vector<2000x128xf32>, vector<128x128xf32>, vector<2000x128xf32> -> vector<2000x128xf32>
    %get3A_6 = arith.constant 0 : index
    %get3A_7 = arith.constant 0 : index
    %get3A_8 = vector.load %arg3[%get3A_6, %get3A_7] : memref<1x128xf32, #tpu.memory_space<vmem>>, vector<1x128xf32>
    %add3A = vector.broadcast %get3A_8 : vector<1x128xf32> to vector<2000x128xf32>
    %add3A_9 = arith.addf %dot_general3A_5, %add3A : vector<2000x128xf32>
    %swap3A = arith.constant 0 : index
    %swap3A_10 = arith.constant 0 : index
    %swap3A_11 = vector.load %arg5[%swap3A, %swap3A_10] : memref<2000x128xf32, #tpu.memory_space<vmem>>, vector<2000x128xf32>
    tpu.vector_store %arg5[%swap3A, %swap3A_10], %add3A_9 {strides = array<i32>} : memref<2000x128xf32, #tpu.memory_space<vmem>>, vector<2000x128xf32>,
    %broadcast_in_dim3A = arith.constant 0.000000e+00 : f32
    %broadcast_in_dim3A_12 = vector.broadcast %broadcast_in_dim3A : f32 to vector<2000x128xf32>
    %swap3A_13 = arith.constant 0 : index
    %swap3A_14 = arith.constant 0 : index
    %swap3A_15 = vector.load %arg6[%swap3A_13, %swap3A_14] : memref<2000x128xf32, #tpu.memory_space<vmem>>, vector<2000x128xf32>
    tpu.vector_store %arg6[%swap3A_13, %swap3A_14], %broadcast_in_dim3A_12 {strides = array<i32>} : memref<2000x128xf32, #tpu.memory_space<vmem>>, vector<2000x128xf32>,
    %eq3A = arith.constant 0 : i32
    %eq3A_16 = arith.cmpi eq, %arg0, %eq3A : i32
    %convert_element_type3A = arith.extui %eq3A_16 : i1 to i32
    %cond3A = arith.constant 0 : i32
    %cond3A_17 = arith.cmpi ne, %convert_element_type3A, %cond3A : i32
    scf.if %cond3A_17 {
      %get3A_18 = arith.constant 0 : index
      %get3A_19 = arith.constant 0 : index
      %get3A_20 = vector.load %arg4[%get3A_18, %get3A_19] : memref<2x320000xi32, #tpu.memory_space<vmem>>, vector<1x320000xi32>
      %get3A_21 = vector.shape_cast %get3A_20 : vector<1x320000xi32> to vector<320000xi32>
      %swap3A_22 = arith.constant 0 : index
      %swap3A_23 = vector.load %arg7[%swap3A_22] : memref<320000xi32, #tpu.memory_space<vmem>>, vector<320000xi32>
      tpu.vector_store %arg7[%swap3A_22], %get3A_21 {strides = array<i32>} : memref<320000xi32, #tpu.memory_space<vmem>>, vector<320000xi32>,
      %get3A_24 = arith.constant 1 : index
      %get3A_25 = arith.constant 0 : index
      %get3A_26 = vector.load %arg4[%get3A_24, %get3A_25] : memref<2x320000xi32, #tpu.memory_space<vmem>>, vector<1x320000xi32>
      %get3A_27 = vector.shape_cast %get3A_26 : vector<1x320000xi32> to vector<320000xi32>
      %swap3A_28 = arith.constant 0 : index
      %swap3A_29 = vector.load %arg8[%swap3A_28] : memref<320000xi32, #tpu.memory_space<vmem>>, vector<320000xi32>
      tpu.vector_store %arg8[%swap3A_28], %get3A_27 {strides = array<i32>} : memref<320000xi32, #tpu.memory_space<vmem>>, vector<320000xi32>,
    } else {
    }
    return
  }
  func.func @transform_0(%arg0: i32) -> (i32, i32) {
    %c0_i32 = arith.constant 0 : i32
    %c0_i32_0 = arith.constant 0 : i32
    return %arg0, %c0_i32 : i32, i32
  }
  func.func @transform_1(%arg0: i32) -> (i32, i32) {
    %c0_i32 = arith.constant 0 : i32
    %c0_i32_0 = arith.constant 0 : i32
    %c0_i32_1 = arith.constant 0 : i32
    return %c0_i32, %c0_i32_0 : i32, i32
  }
  func.func @transform_2(%arg0: i32) -> (i32, i32) {
    %c0_i32 = arith.constant 0 : i32
    %c0_i32_0 = arith.constant 0 : i32
    %c0_i32_1 = arith.constant 0 : i32
    return %c0_i32, %c0_i32_0 : i32, i32
  }
  func.func @transform_3(%arg0: i32) -> (i32, i32) {
    %c0_i32 = arith.constant 0 : i32
    %c0_i32_0 = arith.constant 0 : i32
    %c0_i32_1 = arith.constant 0 : i32
    return %c0_i32, %c0_i32_0 : i32, i32
  }
  func.func @transform_4(%arg0: i32) -> (i32, i32) {
    %c0_i32 = arith.constant 0 : i32
    %c0_i32_0 = arith.constant 0 : i32
    return %arg0, %c0_i32 : i32, i32
  }
  func.func @transform_5(%arg0: i32) -> (i32, i32) {
    %c0_i32 = arith.constant 0 : i32
    %c0_i32_0 = arith.constant 0 : i32
    return %arg0, %c0_i32 : i32, i32
  }
  func.func @transform_6(%arg0: i32) -> i32 {
    %c0_i32 = arith.constant 0 : i32
    %c0_i32_0 = arith.constant 0 : i32
    return %c0_i32 : i32
  }
  func.func @transform_7(%arg0: i32) -> i32 {
    %c0_i32 = arith.constant 0 : i32
    %c0_i32_0 = arith.constant 0 : i32
    return %c0_i32 : i32
  }
}

module attributes {stable_mosaic.version = 14 : i64} {
  func.func @body(%arg0: i32, %arg1: i32, %arg2: memref<1x1xf32, #tpu.memory_space<smem>>, %arg3: memref<2000x128xf32, #tpu.memory_space<vmem>>, %arg4: memref<2000x128xf32, #tpu.memory_space<vmem>>, %arg5: memref<2000x128xf32, #tpu.memory_space<vmem>>, %arg6: memref<128x256xf32, #tpu.memory_space<vmem>>, %arg7: memref<1x256xf32, #tpu.memory_space<vmem>>, %arg8: memref<1x256xf32, #tpu.memory_space<vmem>>, %arg9: memref<1x256xf32, #tpu.memory_space<vmem>>, %arg10: memref<256x128xf32, #tpu.memory_space<vmem>>, %arg11: memref<1x128xf32, #tpu.memory_space<vmem>>, %arg12: memref<2000x128xf32, #tpu.memory_space<vmem>>, %arg13: memref<10000x256xf32, #tpu.memory_space<vmem>>, %arg14: memref<2x256xf32, #tpu.memory_space<vmem>>) attributes {dimension_semantics = [#tpu.dimension_semantics<arbitrary>, #tpu.dimension_semantics<arbitrary>], iteration_bounds = array<i64: 2, 5>, scalar_prefetch = 0 : i64, scratch_operands = 2 : i64, tpu.core_type = #tpu.core_type<tc>, window_params = [{transform_indices = @transform_0, window_bounds = array<i64: 1, 1>}, {transform_indices = @transform_1, window_bounds = array<i64: 2000, 128>}, {transform_indices = @transform_2, window_bounds = array<i64: 2000, 128>}, {transform_indices = @transform_3, window_bounds = array<i64: 2000, 128>}, {pipeline_mode = #tpu.pipeline_mode<synchronous>, transform_indices = @transform_4, window_bounds = array<i64: 128, 256>}, {pipeline_mode = #tpu.pipeline_mode<synchronous>, transform_indices = @transform_5, window_bounds = array<i64: 1, 256>}, {pipeline_mode = #tpu.pipeline_mode<synchronous>, transform_indices = @transform_6, window_bounds = array<i64: 1, 256>}, {pipeline_mode = #tpu.pipeline_mode<synchronous>, transform_indices = @transform_7, window_bounds = array<i64: 1, 256>}, {pipeline_mode = #tpu.pipeline_mode<synchronous>, transform_indices = @transform_8, window_bounds = array<i64: 256, 128>}, {pipeline_mode = #tpu.pipeline_mode<synchronous>, transform_indices = @transform_9, window_bounds = array<i64: 1, 128>}, {transform_indices = @transform_10, window_bounds = array<i64: 2000, 128>}]} {
    %eq3A = arith.constant 0 : i32
    %eq3A_0 = arith.cmpi eq, %arg0, %eq3A : i32
    %convert_element_type3A = arith.extui %eq3A_0 : i1 to i32
    %cond3A = arith.constant 0 : i32
    %cond3A_1 = arith.cmpi ne, %convert_element_type3A, %cond3A : i32
    scf.if %cond3A_1 {
      %get3A = arith.constant 0 : index
      %get3A_7 = arith.constant 0 : index
      %get3A_8 = memref.load %arg2[%get3A, %get3A_7] : memref<1x1xf32, #tpu.memory_space<smem>>
      %add3A = arith.constant 1.000000e+00 : f32
      %add3A_9 = arith.addf %add3A, %get3A_8 : f32
      %get3A_10 = arith.constant 0 : index
      %get3A_11 = arith.constant 0 : index
      %get3A_12 = vector.load %arg3[%get3A_10, %get3A_11] : memref<2000x128xf32, #tpu.memory_space<vmem>>, vector<2000x128xf32>
      %mul3A = vector.broadcast %add3A_9 : f32 to vector<2000x128xf32>
      %mul3A_13 = arith.mulf %mul3A, %get3A_12 : vector<2000x128xf32>
      %get3A_14 = arith.constant 0 : index
      %get3A_15 = arith.constant 0 : index
      %get3A_16 = vector.load %arg4[%get3A_14, %get3A_15] : memref<2000x128xf32, #tpu.memory_space<vmem>>, vector<2000x128xf32>
      %add3A_17 = arith.addf %mul3A_13, %get3A_16 : vector<2000x128xf32>
      %get3A_18 = arith.constant 0 : index
      %get3A_19 = arith.constant 0 : index
      %get3A_20 = vector.load %arg5[%get3A_18, %get3A_19] : memref<2000x128xf32, #tpu.memory_space<vmem>>, vector<2000x128xf32>
      %add3A_21 = arith.addf %add3A_17, %get3A_20 : vector<2000x128xf32>
      %get3A_22 = arith.constant 0 : index
      %get3A_23 = arith.constant 0 : index
      %get3A_24 = vector.load %arg6[%get3A_22, %get3A_23] : memref<128x256xf32, #tpu.memory_space<vmem>>, vector<128x256xf32>
      %dot_general3A = arith.constant dense<0.000000e+00> : vector<2000x256xf32>
      %dot_general3A_25 = tpu.matmul %add3A_21, %get3A_24, %dot_general3A {dimension_numbers = #tpu.dot_dimension_numbers<[1], [0], [0], [1], [0, 0, 1, 1], [], []>, transpose_lhs_hint = false} : vector<2000x128xf32>, vector<128x256xf32>, vector<2000x256xf32> -> vector<2000x256xf32>
      %get3A_26 = arith.constant 0 : index
      %get3A_27 = arith.constant 0 : index
      %get3A_28 = vector.load %arg7[%get3A_26, %get3A_27] : memref<1x256xf32, #tpu.memory_space<vmem>>, vector<1x256xf32>
      %add3A_29 = vector.broadcast %get3A_28 : vector<1x256xf32> to vector<2000x256xf32>
      %add3A_30 = arith.addf %dot_general3A_25, %add3A_29 : vector<2000x256xf32>
      %mul3A_31 = arith.constant 2000 : i32
      %mul3A_32 = arith.muli %arg1, %mul3A_31 : i32
      %swap3A = arith.index_cast %mul3A_32 : i32 to index
      %swap3A_33 = arith.constant 0 : index
      %swap3A_34 = vector.load %arg13[%swap3A, %swap3A_33] : memref<10000x256xf32, #tpu.memory_space<vmem>>, vector<2000x256xf32>
      tpu.vector_store %arg13[%swap3A, %swap3A_33], %add3A_30 {strides = array<i32>} : memref<10000x256xf32, #tpu.memory_space<vmem>>, vector<2000x256xf32>,
      %reduce_sum3A = arith.constant dense<0.000000e+00> : vector<256xf32>
      %reduce_sum3A_35 = vector.multi_reduction <add>, %add3A_30, %reduce_sum3A [0] : vector<2000x256xf32> to vector<256xf32>
      %broadcast_in_dim3A = vector.shape_cast %reduce_sum3A_35 : vector<256xf32> to vector<1x256xf32>
      %mul3A_36 = arith.mulf %add3A_30, %add3A_30 : vector<2000x256xf32>
      %reduce_sum3A_37 = arith.constant dense<0.000000e+00> : vector<256xf32>
      %reduce_sum3A_38 = vector.multi_reduction <add>, %mul3A_36, %reduce_sum3A_37 [0] : vector<2000x256xf32> to vector<256xf32>
      %broadcast_in_dim3A_39 = vector.shape_cast %reduce_sum3A_38 : vector<256xf32> to vector<1x256xf32>
      %concatenate3A = tpu.concatenate %broadcast_in_dim3A, %broadcast_in_dim3A_39 in 0 : vector<1x256xf32>, vector<1x256xf32> -> vector<2x256xf32>
      %eq3A_40 = arith.constant 0 : i32
      %eq3A_41 = arith.cmpi eq, %arg1, %eq3A_40 : i32
      %convert_element_type3A_42 = arith.extui %eq3A_41 : i1 to i32
      %cond3A_43 = arith.constant 0 : i32
      %cond3A_44 = arith.cmpi ne, %convert_element_type3A_42, %cond3A_43 : i32
      scf.if %cond3A_44 {
        %broadcast_in_dim3A_52 = arith.constant 0.000000e+00 : f32
        %broadcast_in_dim3A_53 = vector.broadcast %broadcast_in_dim3A_52 : f32 to vector<2x256xf32>
        %swap3A_54 = arith.constant 0 : index
        %swap3A_55 = arith.constant 0 : index
        %swap3A_56 = vector.load %arg14[%swap3A_54, %swap3A_55] : memref<2x256xf32, #tpu.memory_space<vmem>>, vector<2x256xf32>
        tpu.vector_store %arg14[%swap3A_54, %swap3A_55], %broadcast_in_dim3A_53 {strides = array<i32>} : memref<2x256xf32, #tpu.memory_space<vmem>>, vector<2x256xf32>,
      } else {
      }
      %get3A_45 = arith.constant 0 : index
      %get3A_46 = arith.constant 0 : index
      %get3A_47 = vector.load %arg14[%get3A_45, %get3A_46] : memref<2x256xf32, #tpu.memory_space<vmem>>, vector<2x256xf32>
      %add3A_48 = arith.addf %get3A_47, %concatenate3A : vector<2x256xf32>
      %swap3A_49 = arith.constant 0 : index
      %swap3A_50 = arith.constant 0 : index
      %swap3A_51 = vector.load %arg14[%swap3A_49, %swap3A_50] : memref<2x256xf32, #tpu.memory_space<vmem>>, vector<2x256xf32>
      tpu.vector_store %arg14[%swap3A_49, %swap3A_50], %add3A_48 {strides = array<i32>} : memref<2x256xf32, #tpu.memory_space<vmem>>, vector<2x256xf32>,
    } else {
    }
    %eq3A_2 = arith.constant 1 : i32
    %eq3A_3 = arith.cmpi eq, %arg0, %eq3A_2 : i32
    %convert_element_type3A_4 = arith.extui %eq3A_3 : i1 to i32
    %cond3A_5 = arith.constant 0 : i32
    %cond3A_6 = arith.cmpi ne, %convert_element_type3A_4, %cond3A_5 : i32
    scf.if %cond3A_6 {
      %get3A = arith.constant 0 : index
      %get3A_7 = arith.constant 0 : index
      %get3A_8 = vector.load %arg14[%get3A, %get3A_7] : memref<2x256xf32, #tpu.memory_space<vmem>>, vector<1x256xf32>
      %mul3A = arith.constant 9.99999974E-5 : f32
      %mul3A_9 = vector.broadcast %mul3A : f32 to vector<1x256xf32>
      %mul3A_10 = arith.mulf %get3A_8, %mul3A_9 : vector<1x256xf32>
      %get3A_11 = arith.constant 1 : index
      %get3A_12 = arith.constant 0 : index
      %get3A_13 = vector.load %arg14[%get3A_11, %get3A_12] : memref<2x256xf32, #tpu.memory_space<vmem>>, vector<1x256xf32>
      %mul3A_14 = arith.constant 9.99999974E-5 : f32
      %mul3A_15 = vector.broadcast %mul3A_14 : f32 to vector<1x256xf32>
      %mul3A_16 = arith.mulf %get3A_13, %mul3A_15 : vector<1x256xf32>
      %mul3A_17 = arith.mulf %mul3A_10, %mul3A_10 : vector<1x256xf32>
      %sub3A = arith.subf %mul3A_16, %mul3A_17 : vector<1x256xf32>
      %add3A = arith.constant 9.99999974E-6 : f32
      %add3A_18 = vector.broadcast %add3A : f32 to vector<1x256xf32>
      %add3A_19 = arith.addf %sub3A, %add3A_18 : vector<1x256xf32>
      %rsqrt3A = math.rsqrt %add3A_19 : vector<1x256xf32>
      %get3A_20 = arith.constant 0 : index
      %get3A_21 = arith.constant 0 : index
      %get3A_22 = vector.load %arg8[%get3A_20, %get3A_21] : memref<1x256xf32, #tpu.memory_space<vmem>>, vector<1x256xf32>
      %mul3A_23 = arith.mulf %rsqrt3A, %get3A_22 : vector<1x256xf32>
      %mul3A_24 = arith.constant 2000 : i32
      %mul3A_25 = arith.muli %arg1, %mul3A_24 : i32
      %get3A_26 = arith.index_cast %mul3A_25 : i32 to index
      %get3A_27 = arith.constant 0 : index
      %get3A_28 = vector.load %arg13[%get3A_26, %get3A_27] : memref<10000x256xf32, #tpu.memory_space<vmem>>, vector<2000x256xf32>
      %sub3A_29 = vector.broadcast %mul3A_10 : vector<1x256xf32> to vector<2000x256xf32>
      %sub3A_30 = arith.subf %get3A_28, %sub3A_29 : vector<2000x256xf32>
      %mul3A_31 = vector.broadcast %mul3A_23 : vector<1x256xf32> to vector<2000x256xf32>
      %mul3A_32 = arith.mulf %sub3A_30, %mul3A_31 : vector<2000x256xf32>
      %get3A_33 = arith.constant 0 : index
      %get3A_34 = arith.constant 0 : index
      %get3A_35 = vector.load %arg9[%get3A_33, %get3A_34] : memref<1x256xf32, #tpu.memory_space<vmem>>, vector<1x256xf32>
      %add3A_36 = vector.broadcast %get3A_35 : vector<1x256xf32> to vector<2000x256xf32>
      %add3A_37 = arith.addf %mul3A_32, %add3A_36 : vector<2000x256xf32>
      %max3A = arith.constant 0.000000e+00 : f32
      %max3A_38 = vector.broadcast %max3A : f32 to vector<2000x256xf32>
      %max3A_39 = arith.maximumf %add3A_37, %max3A_38 : vector<2000x256xf32>
      %get3A_40 = arith.constant 0 : index
      %get3A_41 = arith.constant 0 : index
      %get3A_42 = vector.load %arg10[%get3A_40, %get3A_41] : memref<256x128xf32, #tpu.memory_space<vmem>>, vector<256x128xf32>
      %dot_general3A = arith.constant dense<0.000000e+00> : vector<2000x128xf32>
      %dot_general3A_43 = tpu.matmul %max3A_39, %get3A_42, %dot_general3A {dimension_numbers = #tpu.dot_dimension_numbers<[1], [0], [0], [1], [0, 0, 1, 1], [], []>, transpose_lhs_hint = false} : vector<2000x256xf32>, vector<256x128xf32>, vector<2000x128xf32> -> vector<2000x128xf32>
      %get3A_44 = arith.constant 0 : index
      %get3A_45 = arith.constant 0 : index
      %get3A_46 = vector.load %arg11[%get3A_44, %get3A_45] : memref<1x128xf32, #tpu.memory_space<vmem>>, vector<1x128xf32>
      %add3A_47 = vector.broadcast %get3A_46 : vector<1x128xf32> to vector<2000x128xf32>
      %add3A_48 = arith.addf %dot_general3A_43, %add3A_47 : vector<2000x128xf32>
      %max3A_49 = arith.constant 0.000000e+00 : f32
      %max3A_50 = vector.broadcast %max3A_49 : f32 to vector<2000x128xf32>
      %max3A_51 = arith.maximumf %add3A_48, %max3A_50 : vector<2000x128xf32>
      %swap3A = arith.constant 0 : index
      %swap3A_52 = arith.constant 0 : index
      %swap3A_53 = vector.load %arg12[%swap3A, %swap3A_52] : memref<2000x128xf32, #tpu.memory_space<vmem>>, vector<2000x128xf32>
      tpu.vector_store %arg12[%swap3A, %swap3A_52], %max3A_51 {strides = array<i32>} : memref<2000x128xf32, #tpu.memory_space<vmem>>, vector<2000x128xf32>,
    } else {
    }
    return
  }
  func.func @transform_0(%arg0: i32, %arg1: i32) -> (i32, i32) {
    %c0_i32 = arith.constant 0 : i32
    %c0_i32_0 = arith.constant 0 : i32
    %c0_i32_1 = arith.constant 0 : i32
    return %c0_i32, %c0_i32_0 : i32, i32
  }
  func.func @transform_1(%arg0: i32, %arg1: i32) -> (i32, i32) {
    %eq3A = arith.constant 0 : i32
    %eq3A_0 = arith.cmpi eq, %arg0, %eq3A : i32
    %jit3A = arith.constant 0 : i32
    %select_n3A = arith.select %eq3A_0, %arg1, %jit3A : i32
    %c0_i32 = arith.constant 0 : i32
    %c0_i32_1 = arith.constant 0 : i32
    return %select_n3A, %c0_i32 : i32, i32
  }
  func.func @transform_2(%arg0: i32, %arg1: i32) -> (i32, i32) {
    %eq3A = arith.constant 0 : i32
    %eq3A_0 = arith.cmpi eq, %arg0, %eq3A : i32
    %jit3A = arith.constant 0 : i32
    %select_n3A = arith.select %eq3A_0, %arg1, %jit3A : i32
    %c0_i32 = arith.constant 0 : i32
    %c0_i32_1 = arith.constant 0 : i32
    return %select_n3A, %c0_i32 : i32, i32
  }
  func.func @transform_3(%arg0: i32, %arg1: i32) -> (i32, i32) {
    %eq3A = arith.constant 0 : i32
    %eq3A_0 = arith.cmpi eq, %arg0, %eq3A : i32
    %jit3A = arith.constant 0 : i32
    %select_n3A = arith.select %eq3A_0, %arg1, %jit3A : i32
    %c0_i32 = arith.constant 0 : i32
    %c0_i32_1 = arith.constant 0 : i32
    return %select_n3A, %c0_i32 : i32, i32
  }
  func.func @transform_4(%arg0: i32, %arg1: i32) -> (i32, i32) {
    %c0_i32 = arith.constant 0 : i32
    %c0_i32_0 = arith.constant 0 : i32
    %c0_i32_1 = arith.constant 0 : i32
    return %c0_i32, %c0_i32_0 : i32, i32
  }
  func.func @transform_5(%arg0: i32, %arg1: i32) -> (i32, i32) {
    %c0_i32 = arith.constant 0 : i32
    %c0_i32_0 = arith.constant 0 : i32
    %c0_i32_1 = arith.constant 0 : i32
    return %c0_i32, %c0_i32_0 : i32, i32
  }
  func.func @transform_6(%arg0: i32, %arg1: i32) -> (i32, i32) {
    %c0_i32 = arith.constant 0 : i32
    %c0_i32_0 = arith.constant 0 : i32
    %c0_i32_1 = arith.constant 0 : i32
    return %c0_i32, %c0_i32_0 : i32, i32
  }
  func.func @transform_7(%arg0: i32, %arg1: i32) -> (i32, i32) {
    %c0_i32 = arith.constant 0 : i32
    %c0_i32_0 = arith.constant 0 : i32
    %c0_i32_1 = arith.constant 0 : i32
    return %c0_i32, %c0_i32_0 : i32, i32
  }
  func.func @transform_8(%arg0: i32, %arg1: i32) -> (i32, i32) {
    %c0_i32 = arith.constant 0 : i32
    %c0_i32_0 = arith.constant 0 : i32
    %c0_i32_1 = arith.constant 0 : i32
    return %c0_i32, %c0_i32_0 : i32, i32
  }
  func.func @transform_9(%arg0: i32, %arg1: i32) -> (i32, i32) {
    %c0_i32 = arith.constant 0 : i32
    %c0_i32_0 = arith.constant 0 : i32
    %c0_i32_1 = arith.constant 0 : i32
    return %c0_i32, %c0_i32_0 : i32, i32
  }
  func.func @transform_10(%arg0: i32, %arg1: i32) -> (i32, i32) {
    %eq3A = arith.constant 1 : i32
    %eq3A_0 = arith.cmpi eq, %arg0, %eq3A : i32
    %jit3A = arith.constant 0 : i32
    %select_n3A = arith.select %eq3A_0, %arg1, %jit3A : i32
    %c0_i32 = arith.constant 0 : i32
    %c0_i32_1 = arith.constant 0 : i32
    return %select_n3A, %c0_i32 : i32, i32
  }
}

</mosaic_0001>

<sc_bundles>
// kernel: kernel.10.cloned.1.call-start
scs
__scs_entry_jumppad:
0x0: {  	(pc) =	sbr.rel $0x88, $3  }
0x1: {  	(tag) =	ssettag $0x0;
	lr =	simm.s32 $0x1  }
0x2: {  	[smem:$0x3F8F] =	sst lr;
	_ =	strace $0xD0000000  }
0x3: {  	_ = 	snop  }
0x4: {  	_ = 	snop  }
0x5: {  	_ = 	snop  }
0x6: {  	_ = 	snop  }
0x7: {  	_ = 	snop  }
__scs_overlays_trampoline_lowered:
0x8: {  	[smem:$0x3F9E] =	sst s0  }
0x9: {  	[smem:$0x3F9F] =	sst s1  }
0xa: {  	[smem:$0x3FA0] =	sst s2  }
0xb: {  	[smem:$0x3FA1] =	sst s3  }
0xc: {  	[smem:$0x3FA2] =	sst s4  }
0xd: {  	[smem:$0x3FA3] =	sst s5  }
0xe: {  	[smem:$0x3FA4] =	sst s6  }
0xf: {  	[smem:$0x3FA5] =	sst s7  }
0x10: {  	[smem:$0x3FA6] =	sst s8  }
0x11: {  	[smem:$0x3FA7] =	sst s9;
	s0 =	simm.s32 @!p0 $0x0  }
0x12: {  	s1 =	sld [smem:$0x3F8D];
	s0 =	simm.s32 @p0 $0x1  }
0x13: {  	[smem:$0x3FA8] =	sst s0;
	s0 =	simm.s32 @!p1 $0x0  }
0x14: {  	s2 =	sld [smem:$0x3F8C];
	s0 =	simm.s32 @p1 $0x1  }
0x15: {  	[smem:$0x3FA9] =	sst s0;
	s0 =	simm.s32 @!p2 $0x0  }
0x16: {  	s3 =	sld [smem:$0x3FDB];
	s0 =	simm.s32 @p2 $0x1  }
0x17: {  	s4 =	simm.s32 $0x1BF5;
	[smem:$0x3FAB] =	sst s0  }
0x18: {  	s0 =	sld [smem:$0x3F8E];
	_ =	swait.ge [sflag:s4], $0x0  }
0x19: {  	s7 =	sld [smem:$0x3F8F]  }
0x1a: {  	s8 =	sadd.s32 $0xFFFFE003, lr  }
0x1b: {  	s9 =	sadd.s32 $0xFFFFFEF7, lr;
	s5 =	simm.s32 $0xFFFFFFFF;
	p2 =	slt.u32 s8, $0xFFFFF086  }
0x1c: {  	p1 =	slt.u32 s9, $0xF7A;
	s5 =	simm.s32 @!p2 $0x0  }
0x1d: {  	s5 =	simm.s32 @p1 $0x1;
	p0 =	seq.s32 s7, s2  }
0x1e: {  	s7 =	smul.u32 @!p0 $0xF7A, s2;
	p2 =	seq.s32 @!p0 s5, $0x0  }
0x1f: {  	s9 =	smul.u32 $0xF7A, s1;
	s8 =	simm.s32 @!p0 $0x1BF5;
	p2 =	por !p2, p0  }
0x20: {  	[sflag:s8] =	ssyncset.s32 @!p0 $0xFFFFF086;
	s6 =	sadd.s32 @!p0 s3, s7;
	s7 =	simm.s32 @!p0 $0x108  }
0x21: {  	s3 =	sadd.s32 s3, s9;
	s6 =	sadd.s32 @!p0 $0x88, s6;
	s7 =	simm.s32 @p2 $0x1082  }
0x22: {  	[simem:s7], [sflag:s8] =	dma.local @!p0 [hbm:s6], $0xF7A  }
0x23: {  	s9 =	sor.u32 $0xD0000000, s2;
	s6 =	simm.s32 $0x108;
	_ =	swait.ge @!p0 [sflag:s8], $0x0  }
0x24: {  	s3 =	sadd.s32 $0x88, s3;
	s6 =	simm.s32 @!p1 $0x1082;
	[sflag:s4] =	ssyncset.s32 $0xFFFFF086  }
0x25: {  	[simem:s6], [sflag:s4] =	dma.local [hbm:s3], $0xF7A  }
0x26: {  	[smem:$0x3F8F] =	sst s1;
	(tag) =	ssettag s2;
	_ =	strace s9  }
0x27: {  	s1 =	sld [smem:$0x3F9F]  }
0x28: {  	s2 =	sld [smem:$0x3FA0]  }
0x29: {  	s4 =	sld [smem:$0x3FA2]  }
0x2a: {  	p0 =	seq.s32 s5, $0x0;
	s5 =	sld [smem:$0x3FA3]  }
0x2b: {  	s6 =	sld [smem:$0x3FA4]  }
0x2c: {  	s7 =	sld [smem:$0x3FA5]  }
0x2d: {  	s3 =	simm.s32 $0x108;
	s8 =	sld [smem:$0x3FA6]  }
0x2e: {  	s3 =	simm.s32 @!p0 $0x1082;
	s9 =	sld [smem:$0x3FA7]  }
0x2f: {  	lr =	sadd.s32 s0, s3;
	s0 =	sld [smem:$0x3F9E]  }
0x30: {  	s3 =	sld [smem:$0x3FA1]  }
0x31: {  	[smem:$0x3FAA] =	sst s10  }
0x32: {  	s10 =	sld [smem:$0x3FA8];
	_ =	sdelay $0x3  }
0x33: {  	p0 =	seq.s32 s10, $0x1;
	s10 =	sld [smem:$0x3FAA];
	_ =	sdelay $0x3  }
0x34: {  	[smem:$0x3FAA] =	sst s10  }
0x35: {  	s10 =	sld [smem:$0x3FA9];
	_ =	sdelay $0x3  }
0x36: {  	p1 =	seq.s32 s10, $0x1;
	s10 =	sld [smem:$0x3FAA];
	_ =	sdelay $0x3  }
0x37: {  	[smem:$0x3FAA] =	sst s10  }
0x38: {  	s10 =	sld [smem:$0x3FAB]  }
0x39: {  	_ = 	snop;
	(pc) =	sbr.ind lr, $3  }
0x3a: {  	_ = 	snop  }
0x3b: {  	_ = 	snop  }
0x3c: {  	p2 =	seq.s32 s10, $0x1;
	s10 =	sld [smem:$0x3FAA]  }
0x3d: {  	_ =	shalt  }
0x3e: {  	_ =	shalt  }
0x3f: {  	_ =	shalt  }
0x40: {  	_ =	shalt  }
0x41: {  	_ =	shalt  }
0x42: {  	_ =	shalt  }
0x43: {  	_ =	shalt  }
0x44: {  	_ =	shalt  }
0x45: {  	_ =	shalt  }
0x46: {  	_ =	shalt  }
0x47: {  	_ =	shalt  }
0x48: {  	_ =	shalt  }
0x49: {  	_ =	shalt  }
0x4a: {  	_ =	shalt  }
0x4b: {  	_ =	shalt  }
0x4c: {  	_ =	shalt  }
0x4d: {  	_ =	shalt  }
0x4e: {  	_ =	shalt  }
0x4f: {  	_ =	shalt  }
0x50: {  	_ =	shalt  }
0x51: {  	_ =	shalt  }
0x52: {  	_ =	shalt  }
0x53: {  	_ =	shalt  }
0x54: {  	_ =	shalt  }
0x55: {  	_ =	shalt  }
0x56: {  	_ =	shalt  }
0x57: {  	_ =	shalt  }
0x58: {  	_ =	shalt  }
0x59: {  	_ =	shalt  }
0x5a: {  	_ =	shalt  }
0x5b: {  	_ =	shalt  }
0x5c: {  	_ =	shalt  }
0x5d: {  	_ =	shalt  }
0x5e: {  	_ =	shalt  }
0x5f: {  	_ =	shalt  }
0x60: {  	_ =	shalt  }
0x61: {  	_ =	shalt  }
0x62: {  	_ =	shalt  }
0x63: {  	_ =	shalt  }
0x64: {  	_ =	shalt  }
0x65: {  	_ =	shalt  }
0x66: {  	_ =	shalt  }
0x67: {  	_ =	shalt  }
0x68: {  	_ =	shalt  }
0x69: {  	_ =	shalt  }
0x6a: {  	_ =	shalt  }
0x6b: {  	_ =	shalt  }
0x6c: {  	_ =	shalt  }
0x6d: {  	_ =	shalt  }
0x6e: {  	_ =	shalt  }
0x6f: {  	_ =	shalt  }
0x70: {  	_ =	shalt  }
0x71: {  	_ =	shalt  }
0x72: {  	_ =	shalt  }
0x73: {  	_ =	shalt  }
0x74: {  	_ =	shalt  }
0x75: {  	_ =	shalt  }
0x76: {  	_ =	shalt  }
0x77: {  	_ =	shalt  }
0x78: {  	_ =	shalt  }
0x79: {  	_ =	shalt  }
0x7a: {  	_ =	shalt  }
0x7b: {  	_ =	shalt  }
0x7c: {  	_ =	shalt  }
0x7d: {  	_ =	shalt  }
0x7e: {  	_ =	shalt  }
0x7f: {  	_ =	shalt  }
0x80: {  	_ =	shalt  }
0x81: {  	_ =	shalt  }
0x82: {  	_ =	shalt  }
0x83: {  	_ =	shalt  }
0x84: {  	_ =	shalt  }
0x85: {  	_ =	shalt  }
0x86: {  	_ =	shalt  }
0x87: {  	_ =	shalt  }
.Lfunc_end0:
.L_simem_size_0:
called_computation.1_lowered:
.L_overlay_start_0:
0x88: {  	s2 =	sld [smem:$0x3FD9]  }
0x89: {  	s3 =	sld [smem:$0x3FFE];
	_ =	sdelay $0x1  }
0x8a: {  	s1 =	srdreg.scid  }
0x8b: {  	s0 =	sand.u32 $0x1, s1  }
0x8c: {  	s17 =	sshll.u32 s0, $0xA;
	s2 =	sadd.s32 s3, s2  }
0x8d: {  	s2 =	sadd.s32 s2, s17  }
0x8e: {  	[smem:$0x3FB6] =	sst s2  }
0x8f: {  	_ = 	snop  }
0x90: {  	s2 =	sld [smem:$0x3FD0];
	(tm) =	ssettm $0x1  }
0x91: {  	s18 =	sld [smem:$0x3FFB];
	_ =	sdelay $0x3  }
0x92: {  	_ =	strace s18  }
0x93: {  	s3 =	sld [smem:$0x3FFC];
	_ =	sdelay $0x3  }
0x94: {  	_ =	strace s3  }
0x95: {  	s3 =	sld [smem:$0x3FFD];
	_ =	sdelay $0x3  }
0x96: {  	_ =	strace s3  }
0x97: {  	_ =	strace $0x8FFFFFFF  }
0x98: {  	s19 =	sld [smem:$0x3FDB];
	_ =	sdelay $0x1  }
0x99: {  	s4 =	simm.s32 $_scs_section_size  }
0x9a: {  	s5 =	simm.s32 $_size__tile_overlayer_lowered;
	s6 =	simm.s32 $_tile_overlayer_lowered  }
0x9b: {  	s22 =	simm.s32 $0x1BFF;
	s21 =	sshll.u32 s6, $0x1;
	s3 =	sadd.s32 s4, s19  }
0x9c: {  	s7 =	simm.s32 $0x0;
	s20 =	sshll.u32 s5, $0x1;
	s5 =	sadd.s32 s21, s3  }
0x9d: {  	[timem:s7], [sflag:s22] =	dma.local [hbm:s5], s20  }
0x9e: {  	_ =	swait.ge [sflag:s22], s20  }
0x9f: {  	s4 =	ssub.s32 $0x0, s20;
	[sflag:s22] =	ssyncset.done $0x0  }
0xa0: {  	[sflag:s22] =	ssyncadd.s32 s4;
	_ =	sdelay $0x1  }
0xa1: {  	s23 =	simm.s32 $0x1B8B  }
0xa2: {  	_ =	swait.ge [sflag:s23], $0x1  }
0xa3: {  	[sflag:s23] =	ssyncset.done $0x0  }
0xa4: {  	s25 =	simm.s32 $0x1B8E;
	s24 =	sld [smem:$0x3FFE];
	[sflag:s23] =	ssyncadd.s32 $0xFFFFFFFF  }
0xa5: {  	s26 =	simm.s32 $execute0_lowered;
	[smem:$0x3FD2] =	sst s25  }
0xa6: {  	s5 =	sshll.u32 s26, $0x1;
	_ =	strace $0x80000049;
	[dreg:$0x1] =	wrdreg $0xFFFFFFFF  }
0xa7: {  	s28 =	simm.s32 $_size_execute0_lowered;
	s3 =	sadd.s32 s3, s5;
	[dreg:$0x0] =	wrdreg $0x0  }
0xa8: {  	s5 =	sshll.u32 s28, $0x1;
	[dreg:$0x2] =	wrdreg s3  }
0xa9: {  	[dreg:$0x3] =	wrdreg s5  }
0xaa: {  	[dreg:$0x4] =	wrdreg $0xC0  }
0xab: {  	_ =	task [dreg:s7], $0x5FFFF  }
0xac: {  	[dreg:$0x1] =	wrdreg $0xFFFFFFFF  }
0xad: {  	[dreg:$0x0] =	wrdreg $0x60  }
0xae: {  	[dreg:$0x2] =	wrdreg s2  }
0xaf: {  	[dreg:$0x3] =	wrdreg s24  }
0xb0: {  	[dreg:$0x4] =	wrdreg $0xC7000  }
0xb1: {  	[dreg:$0x5] =	wrdreg $0x9  }
0xb2: {  	_ =	task.clear_ibuf [dreg:s7], $0x6FFFF;
	_ =	strace $0x90000049  }
0xb3: {  	s29 =	simm.s32 $0x9;
	_ =	strace $0x8000004B  }
0xb4: {  	_ =	swait.ge [sflag:s29], $0x1  }
0xb5: {  	[sflag:s29] =	ssyncadd.s32 $0xFFFFFFFF  }
0xb6: {  	_ =	strace $0x9000004B  }
0xb7: {  	_ =	sfence  }
0xb8: {  	s30 =	sld [smem:$0x0];
	_ =	sdelay $0x2  }
0xb9: {  	s31 =	sshll.u32 s1, $0xD;
	s1 =	sshrl.u32 s1, $0x2  }
0xba: {  	s3 =	sand.u32 $0x4000, s31;
	s1 =	sadd.s32 s1, s30  }
0xbb: {  	s0 =	sor.u32 s3, s0;
	s1 =	sshll.u32 s1, $0x11  }
0xbc: {  	s0 =	sor.u32 s1, s0  }
0xbd: {  	s0 =	sadd.s32 $0x8F2B, s0  }
0xbe: {  	[sflag:s0] =	ssyncadd.remote.s32 $0x1  }
0xbf: {  	_ =	sfence.sel $0xFFFF  }
0xc0: {  	[dreg:$0x0] =	wrdreg $0xFFFFFFFF;
	(pc) =	sbr.abs _section_cstart, $3  }
0xc1: {  	[dreg:$0x1] =	wrdreg $0xFFFFFFFF  }
0xc2: {  	_ =	task.clear_ibuf [dreg:s7], $0x2FFFF;
	_ =	strace $0x9FFFFFFF  }
0xc3: {  	(tm) =	ssettm $0x7FFFFFFF  }
tec
execute0_lowered:
.L_overlay_start_1:
0x0: {  	(tag) =	ssettag $0x1  }
0x1: {  	s0 =	srdreg.scid;
	s1 =	rddreg [dreg:$0x0]  }
0x2: {  	s2 =	rddreg [dreg:$0x1];
	s14 =	stileid.u32  }
0x3: {  	s3 =	rddreg [dreg:$0x2];
	s17 =	simm.s32 $0x2780;
	s20 =	simm.s32 $0x4  }
0x4: {  	s21 =	simm.s32 $0x50;
	s22 =	simm.s32 $0x4F00;
	s23 =	simm.s32 $0x7700  }
0x5: {  	s24 =	simm.s32 $0x5;
	s29 =	simm.s32 $0x9F00;
	s6 =	smul.u32 $0x2700, s14  }
0x6: {  	s30 =	simm.s32 $0x2;
	s0 =	sand.u32 $0x1, s0;
	s8 =	smul.u32 $0x4E000, s14  }
0x7: {  	s15 =	sadd.s32 $0x3F600, s2;
	s16 =	sadd.s32 $0x66800, s2;
	s19 =	sadd.s32 $0x138000, s3  }
0x8: {  	s13 =	sadd.s32 $0x2B800, s2;
	p1 =	sne.s32 s14, $0xF;
	p2 =	seq.s32 s14, $0xF  }
0x9: {  	s4 =	sshll.u32 s0, $0x4;
	s7 =	ssub.s32 $0x2, s0;
	p0 =	seq.s32 s0, $0x1  }
0xa: {  	s0 =	simm.s32 $0x3;
	s5 =	sor.u32 s14, s4;
	s4 =	simm.s32 $0x0  }
0xb: {  	s10 =	sadd.s32 s6, s2;
	s9 =	sshrl.u32 s7, $0x1;
	s25 =	sshrl.u32 s8, $0x2  }
0xc: {  	s28 =	sadd.s32 s15, s6;
	s31 =	sadd.s32 s16, s6;
	s6 =	simm.s32 $0x140  }
0xd: {  	s5 =	smul.u32 $0x4E2, s5;
	[smem:$0x7FF] =	sst s4;
	s12 =	ssub.s32 s7, s9  }
0xe: {  	s26 =	sadd.s32 s25, s3;
	_ =	strace $0x8000004A;
	[dreg:$0x4] =	wrdreg s15  }
0xf: {  	s9 =	sshll.u32 s14, $0x6;
	s10 =	sadd.s32 $0x4800, s10;
	[dreg:$0x7] =	wrdreg s28  }
.Ltmp0:
0x10: {  	s25 =	simm.s32 $0x6;
	[dreg:$0x5] =	wrdreg s16;
	(pc) =	sbr.rel .LBB2_1-.Ltmp0, $4  }
0x11: {  	s14 =	simm.s32 $0x7;
	s11 =	sor.u32 $0x1C06, s9;
	[dreg:$0x8] =	wrdreg s31  }
0x12: {  	s16 =	smax.u32 s12, $0x1;
	s18 =	sshrl.u32 s26, $0x3;
	[dreg:$0x6] =	wrdreg s19  }
0x13: {  	s19 =	sshrl.u32 @!p1 s19, $0x3;
	s26 =	simm.s32 $0x1;
	s5 =	sadd.s32 s5, s2  }
0x14: {  	s15 =	simm.s32 $0x0;
	s7 =	sadd.s32 $0x2BA00, s5;
	s8 =	sadd.s32 $0x35800, s5  }
.LBB2_7:
0x15: {  	s5 =	rddreg [dreg:$0x6]  }
0x16: {  	s2 =	sadd.s32 $0x27000, s28;
	s5 =	sshrl.u32 s5, $0x3  }
0x17: {  	[hbm:s2], [sflag:s12] =	dma.local [spmem:s5], $0x100  }
0x18: {  	_ =	swait.ge [sflag:s14], $0x100  }
0x19: {  	[sflag:s14] =	ssyncset.done $0x0  }
0x1a: {  	[sflag:s14] =	ssyncadd.s32 $0xFFFFFF00  }
.LBB2_8:
0x1b: {  	s15 =	sadd.s32 $0x1, s15  }
0x1c: {  	p3 =	sne.s32 s15, s16  }
.Ltmp1:
0x1d: {  	_ = 	snop;
	(pc) =	sbr.rel @!p3 .LBB2_9-.Ltmp1, $1  }
0x1e: {  	_ =	sdelay $0x3  }
.LBB2_1:
0x1f: {  	[tilespmem:s4], [sflag:$0x4] =	stream.linear.gather [hbm4b:s7+s4], $0x2710, $0x38;
	[tilespmem:$0x1FF80] =	vst v63  }
0x20: {  	_ = 	snop  }
0x21: {  	[tilespmem:s17], [sflag:$0x5] =	stream.linear.gather [hbm4b:s8+s4], $0x2710, $0x38;
	[tilespmem:$0x1FF80] =	vst v63  }
0x22: {  	[spmem:s18], [sflag:s11] =	dma.local [hbm:s10], $0x2700  }
0x23: {  	[spmem:s19], [sflag:s11] =	dma.local @!p1 [hbm:s13], $0x100  }
0x24: {  	_ =	swait.ge [sflag:s20], $0x2710  }
0x25: {  	[sflag:s20] =	ssyncset.done $0x0  }
0x26: {  	[sflag:s20] =	ssyncadd.s32 $0xFFFFD8F0  }
0x27: {  	[tilespmem:s22], [sflag:$0x1] =	stream.indirect.gather [hbm4b:s1+s21], $0x80, s4, s21, $0xb8;
	[tilespmem:$0x1FF80] =	vst v63  }
0x28: {  	_ = 	snop  }
0x29: {  	[tilespmem:s23], [sflag:$0x2] =	stream.indirect.gather [hbm4b:s1+s21], $0x80, s21, s21, $0xb8;
	[tilespmem:$0x1FF80] =	vst v63  }
0x2a: {  	_ =	swait.ge [sflag:s24], $0x2710  }
0x2b: {  	[sflag:s24] =	ssyncset.done $0x0  }
0x2c: {  	[sflag:s24] =	ssyncadd.s32 $0xFFFFD8F0  }
0x2d: {  	_ =	swait.ge [sflag:s25], $0x2700  }
0x2e: {  	[sflag:s25] =	ssyncset.done $0x0  }
0x2f: {  	s12 =	simm.s32 @!p1 $0x6;
	[sflag:s25] =	ssyncadd.s32 $0xFFFFD900  }
0x30: {  	_ =	swait.ge @!p1 [sflag:s12], $0x100  }
0x31: {  	[sflag:s12] =	ssyncset.done @!p1 $0x0  }
0x32: {  	[sflag:s12] =	ssyncadd.s32 @!p1 $0xFFFFFF00  }
0x33: {  	[bflag:$0x0] =	sbarrier.arrive $0xFFFF  }
0x34: {  	_ =	swait.ge [sflag:s26], $0x2800  }
0x35: {  	[sflag:s26] =	ssyncset.done $0x0  }
0x36: {  	[sflag:s26] =	ssyncadd.s32 $0xFFFFD800  }
0x37: {  	[spmem:s3] =	stream.indirect.scatter.add.f32 [tilespmem:s22], [sflag:$0x4], $0x80, s17, s21, $0xb8;
	[tilespmem:$0x1FF80] =	vst v63  }
0x38: {  	s2 =	simm.s32 $0xA0  }
0x39: {  	[tilespmem:s29], [sflag:$0x3] =	stream.indirect.gather [hbm4b:s1+s21], $0x80, s2, s21, $0xb8;
	[tilespmem:$0x1FF80] =	vst v63  }
0x3a: {  	_ =	swait.ge [sflag:s30], $0x2800  }
0x3b: {  	[sflag:s30] =	ssyncset.done $0x0  }
0x3c: {  	s12 =	simm.s32 $0x27D0;
	[sflag:s30] =	ssyncadd.s32 $0xFFFFD800  }
0x3d: {  	[spmem:s3] =	stream.indirect.scatter.add.f32 [tilespmem:s23], [sflag:$0x5], $0x80, s12, s21, $0xb8;
	[tilespmem:$0x1FF80] =	vst v63  }
0x3e: {  	_ =	swait.ge [sflag:s20], $0x2800  }
0x3f: {  	[sflag:s20] =	ssyncset.done $0x0  }
0x40: {  	s28 =	simm.s32 $0xF0;
	[sflag:s20] =	ssyncadd.s32 $0xFFFFD800  }
0x41: {  	[tilespmem:s22], [sflag:$0x1] =	stream.indirect.gather [hbm4b:s1+s21], $0x80, s28, s21, $0xb8;
	[tilespmem:$0x1FF80] =	vst v63  }
0x42: {  	_ =	swait.ge [sflag:s0], $0x2800  }
0x43: {  	[sflag:s0] =	ssyncset.done $0x0  }
0x44: {  	s31 =	simm.s32 $0x2820;
	[sflag:s0] =	ssyncadd.s32 $0xFFFFD800  }
0x45: {  	[spmem:s3] =	stream.indirect.scatter.add.f32 [tilespmem:s29], [sflag:$0x6], $0x80, s31, s21, $0xb8;
	[tilespmem:$0x1FF80] =	vst v63  }
0x46: {  	_ =	swait.ge [sflag:s24], $0x2800  }
0x47: {  	[sflag:s24] =	ssyncset.done $0x0  }
0x48: {  	s12 =	simm.s32 $0x0;
	[sflag:s24] =	ssyncadd.s32 $0xFFFFD800  }
0x49: {  	[tilespmem:s23], [sflag:$0x2] =	stream.indirect.gather [hbm4b:s1+s21], $0x80, s6, s21, $0xb8;
	[tilespmem:$0x1FF80] =	vst v63  }
.LBB2_2:
0x4a: {  	_ =	swait.ge [sflag:s26], $0x2800  }
0x4b: {  	s28 =	sshra.s32 s12, $0x2;
	[sflag:s26] =	ssyncset.done $0x0  }
0x4c: {  	s31 =	sadd.s32 $0x2870, s28;
	[sflag:s26] =	ssyncadd.s32 $0xFFFFD800  }
0x4d: {  	[spmem:s3] =	stream.indirect.scatter.add.f32 [tilespmem:s22], [sflag:$0x4], $0x80, s31, s21, $0xb8;
	[tilespmem:$0x1FF80] =	vst v63  }
0x4e: {  	p3 =	seq.s32 s12, $0x9600;
	_ =	swait.ge [sflag:s25], $0x2800  }
0x4f: {  	s2 =	simm.s32 @!p3 $0x50;
	s31 =	sshra.s32 @!p3 s12, $0x2;
	[sflag:s25] =	ssyncset.done $0x0  }
0x50: {  	s5 =	simm.s32 @!p3 $0x9F00;
	s31 =	sadd.s32 @!p3 $0x190, s31;
	[sflag:s25] =	ssyncadd.s32 $0xFFFFD800  }
0x51: {  	[tilespmem:s5], [sflag:$0x3] =	stream.indirect.gather @!p3 [hbm4b:s1+s2], $0x80, s31, s2, $0xb8;
	[tilespmem:$0x1FF80] =	vst v63  }
0x52: {  	_ =	swait.ge [sflag:s30], $0x2800  }
0x53: {  	[sflag:s30] =	ssyncset.done $0x0  }
.Ltmp2:
0x54: {  	s31 =	sadd.s32 $0x28C0, s28;
	[sflag:s30] =	ssyncadd.s32 $0xFFFFD800;
	(pc) =	sbr.rel @p3 .LBB2_4-.Ltmp2, $4  }
0x55: {  	[spmem:s3] =	stream.indirect.scatter.add.f32 [tilespmem:s23], [sflag:$0x5], $0x80, s31, s21, $0xb8;
	[tilespmem:$0x1FF80] =	vst v63  }
0x56: {  	_ =	swait.ge [sflag:s20], $0x2800  }
0x57: {  	[sflag:s20] =	ssyncset.done $0x0  }
0x58: {  	[sflag:s20] =	ssyncadd.s32 $0xFFFFD800  }
0x59: {  	s2 =	sadd.s32 $0x1E0, s28  }
0x5a: {  	[tilespmem:s22], [sflag:$0x1] =	stream.indirect.gather [hbm4b:s1+s21], $0x80, s2, s21, $0xb8;
	[tilespmem:$0x1FF80] =	vst v63  }
0x5b: {  	_ =	swait.ge [sflag:s0], $0x2800  }
0x5c: {  	[sflag:s0] =	ssyncset.done $0x0  }
0x5d: {  	s5 =	sadd.s32 $0x2910, s28;
	[sflag:s0] =	ssyncadd.s32 $0xFFFFD800  }
0x5e: {  	[spmem:s3] =	stream.indirect.scatter.add.f32 [tilespmem:s29], [sflag:$0x6], $0x80, s5, s21, $0xb8;
	[tilespmem:$0x1FF80] =	vst v63  }
.Ltmp3:
0x5f: {  	_ = 	snop;
	(pc) =	sbr.rel .LBB2_2-.Ltmp3, $4  }
0x60: {  	_ =	swait.ge [sflag:s24], $0x2800  }
0x61: {  	[sflag:s24] =	ssyncset.done $0x0  }
0x62: {  	s31 =	sadd.s32 $0x230, s28;
	s12 =	sadd.s32 $0x3C0, s12;
	[sflag:s24] =	ssyncadd.s32 $0xFFFFD800  }
0x63: {  	[tilespmem:s23], [sflag:$0x2] =	stream.indirect.gather [hbm4b:s1+s21], $0x80, s31, s21, $0xb8;
	[tilespmem:$0x1FF80] =	vst v63  }
.LBB2_4:
.Ltmp4:
0x64: {  	_ =	swait.ge [sflag:s24], $0x2800;
	(pc) =	sbr.rel @!p0 .LBB2_5-.Ltmp4, $4  }
0x65: {  	[sflag:s24] =	ssyncset.done $0x0  }
0x66: {  	[sflag:s24] =	ssyncadd.s32 $0xFFFFD800  }
0x67: {  	[bflag:$0x0] =	sbarrier.arrive $0xFFFF  }
0x68: {  	s12 =	sor.u32 $0x1C07, s9  }
0x69: {  	s12 =	sor.u32 $0x1C07, s9;
	s2 =	rddreg [dreg:$0x8]  }
0x6a: {  	[hbm:s2], [sflag:s12] =	dma.local [spmem:s18], $0x2700  }
.Ltmp5:
0x6b: {  	_ = 	snop;
	(pc) =	sbr.rel @p1 .LBB2_8-.Ltmp5, $4  }
.Ltmp6:
0x6c: {  	_ = 	snop;
	(pc) =	sbr.rel @!p1 .LBB2_7-.Ltmp6, $4  }
0x6d: {  	_ =	swait.ge [sflag:s14], $0x2700  }
0x6e: {  	[sflag:s14] =	ssyncset.done $0x0  }
0x6f: {  	s28 =	rddreg [dreg:$0x5];
	[sflag:s14] =	ssyncadd.s32 $0xFFFFD900  }
0x70: {  	_ = 	snop  }
.LBB2_5:
0x71: {  	s2 =	rddreg [dreg:$0x7]  }
0x72: {  	[hbm:s2], [sflag:s12] =	dma.local [spmem:s18], $0x2700  }
.Ltmp7:
0x73: {  	_ = 	snop;
	(pc) =	sbr.rel @p2 .LBB2_7-.Ltmp7, $4  }
.Ltmp8:
0x74: {  	_ = 	snop;
	(pc) =	sbr.rel @!p2 .LBB2_8-.Ltmp8, $4  }
0x75: {  	_ =	swait.ge [sflag:s14], $0x2700  }
0x76: {  	[sflag:s14] =	ssyncset.done $0x0  }
0x77: {  	s28 =	rddreg [dreg:$0x4];
	[sflag:s14] =	ssyncadd.s32 $0xFFFFD900  }
0x78: {  	_ = 	snop  }
.LBB2_9:
0x79: {  	_ =	sfence.sel $0x180000  }
0x7a: {  	[bflag:$0x0] =	sbarrier.arrive $0xFFFF  }
0x7b: {  	_ =	strace $0x9000004A  }
0x7c: {  	s0 =	stileid.u32;
	[bflag:$0x2] =	sbarrier.arrive $0xFFFF  }
0x7d: {  	p0 =	sne.s32 s0, $0x0;
	s0 =	rddreg [dreg:$0x3]  }
0x7e: {  	s0 =	sadd.s32 @!p0 $0x100000, s0  }
0x7f: {  	[sflag:s0] =	ssyncadd.tile.s32 @!p0 $0x1;
	_ =	shalt  }
.Lfunc_end2:
_tile_overlayer_lowered:
.L_overlay_start_2:
0x80: {  	(tag) =	ssettag $0x2  }
0x81: {  	s0 =	rddreg [dreg:$0x0];
	s2 =	stileid.u32  }
0x82: {  	s1 =	rddreg [dreg:$0x1];
	p0 =	sne.s32 s2, $0x0  }
0x83: {  	s3 =	rddreg [dreg:$0x2];
	[bflag:$0x3] =	sbarrier.arrive $0xFFFF;
	s2 =	simm.s32 @!p0 $0x1C07  }
0x84: {  	[timem:s3], [sflag:s2] =	dma.local @!p0 [hbm:s0], s1  }
0x85: {  	s0 =	simm.s32 @!p0 $0x7  }
0x86: {  	_ =	swait.ge @!p0 [sflag:s0], s1  }
0x87: {  	s1 =	ssub.s32 @!p0 $0x0, s1;
	[sflag:s0] =	ssyncset.done @!p0 $0x0  }
0x88: {  	[sflag:s0] =	ssyncadd.s32 @!p0 s1  }
0x89: {  	[bflag:$0x3] =	sbarrier.arrive $0xFFFF  }
0x8a: {  	_ =	shalt  }

// kernel: kernel.7.cloned.1.call-start
scs
__scs_entry_jumppad:
0x0: {  	(pc) =	sbr.rel $0x88, $3  }
0x1: {  	(tag) =	ssettag $0x0;
	lr =	simm.s32 $0x1  }
0x2: {  	[smem:$0x3F8F] =	sst lr;
	_ =	strace $0xD0000000  }
0x3: {  	_ = 	snop  }
0x4: {  	_ = 	snop  }
0x5: {  	_ = 	snop  }
0x6: {  	_ = 	snop  }
0x7: {  	_ = 	snop  }
__scs_overlays_trampoline_lowered:
0x8: {  	[smem:$0x3F9E] =	sst s0  }
0x9: {  	[smem:$0x3F9F] =	sst s1  }
0xa: {  	[smem:$0x3FA0] =	sst s2  }
0xb: {  	[smem:$0x3FA1] =	sst s3  }
0xc: {  	[smem:$0x3FA2] =	sst s4  }
0xd: {  	[smem:$0x3FA3] =	sst s5  }
0xe: {  	[smem:$0x3FA4] =	sst s6  }
0xf: {  	[smem:$0x3FA5] =	sst s7  }
0x10: {  	[smem:$0x3FA6] =	sst s8  }
0x11: {  	[smem:$0x3FA7] =	sst s9;
	s0 =	simm.s32 @!p0 $0x0  }
0x12: {  	s1 =	sld [smem:$0x3F8D];
	s0 =	simm.s32 @p0 $0x1  }
0x13: {  	[smem:$0x3FA8] =	sst s0;
	s0 =	simm.s32 @!p1 $0x0  }
0x14: {  	s2 =	sld [smem:$0x3F8C];
	s0 =	simm.s32 @p1 $0x1  }
0x15: {  	[smem:$0x3FA9] =	sst s0;
	s0 =	simm.s32 @!p2 $0x0  }
0x16: {  	s3 =	sld [smem:$0x3FDB];
	s0 =	simm.s32 @p2 $0x1  }
0x17: {  	s4 =	simm.s32 $0x1BF5;
	[smem:$0x3FAB] =	sst s0  }
0x18: {  	s0 =	sld [smem:$0x3F8E];
	_ =	swait.ge [sflag:s4], $0x0  }
0x19: {  	s7 =	sld [smem:$0x3F8F]  }
0x1a: {  	s8 =	sadd.s32 $0xFFFFE003, lr  }
0x1b: {  	s9 =	sadd.s32 $0xFFFFFEF7, lr;
	s5 =	simm.s32 $0xFFFFFFFF;
	p2 =	slt.u32 s8, $0xFFFFF086  }
0x1c: {  	p1 =	slt.u32 s9, $0xF7A;
	s5 =	simm.s32 @!p2 $0x0  }
0x1d: {  	s5 =	simm.s32 @p1 $0x1;
	p0 =	seq.s32 s7, s2  }
0x1e: {  	s7 =	smul.u32 @!p0 $0xF7A, s2;
	p2 =	seq.s32 @!p0 s5, $0x0  }
0x1f: {  	s9 =	smul.u32 $0xF7A, s1;
	s8 =	simm.s32 @!p0 $0x1BF5;
	p2 =	por !p2, p0  }
0x20: {  	[sflag:s8] =	ssyncset.s32 @!p0 $0xFFFFF086;
	s6 =	sadd.s32 @!p0 s3, s7;
	s7 =	simm.s32 @!p0 $0x108  }
0x21: {  	s3 =	sadd.s32 s3, s9;
	s6 =	sadd.s32 @!p0 $0x88, s6;
	s7 =	simm.s32 @p2 $0x1082  }
0x22: {  	[simem:s7], [sflag:s8] =	dma.local @!p0 [hbm:s6], $0xF7A  }
0x23: {  	s9 =	sor.u32 $0xD0000000, s2;
	s6 =	simm.s32 $0x108;
	_ =	swait.ge @!p0 [sflag:s8], $0x0  }
0x24: {  	s3 =	sadd.s32 $0x88, s3;
	s6 =	simm.s32 @!p1 $0x1082;
	[sflag:s4] =	ssyncset.s32 $0xFFFFF086  }
0x25: {  	[simem:s6], [sflag:s4] =	dma.local [hbm:s3], $0xF7A  }
0x26: {  	[smem:$0x3F8F] =	sst s1;
	(tag) =	ssettag s2;
	_ =	strace s9  }
0x27: {  	s1 =	sld [smem:$0x3F9F]  }
0x28: {  	s2 =	sld [smem:$0x3FA0]  }
0x29: {  	s4 =	sld [smem:$0x3FA2]  }
0x2a: {  	p0 =	seq.s32 s5, $0x0;
	s5 =	sld [smem:$0x3FA3]  }
0x2b: {  	s6 =	sld [smem:$0x3FA4]  }
0x2c: {  	s7 =	sld [smem:$0x3FA5]  }
0x2d: {  	s3 =	simm.s32 $0x108;
	s8 =	sld [smem:$0x3FA6]  }
0x2e: {  	s3 =	simm.s32 @!p0 $0x1082;
	s9 =	sld [smem:$0x3FA7]  }
0x2f: {  	lr =	sadd.s32 s0, s3;
	s0 =	sld [smem:$0x3F9E]  }
0x30: {  	s3 =	sld [smem:$0x3FA1]  }
0x31: {  	[smem:$0x3FAA] =	sst s10  }
0x32: {  	s10 =	sld [smem:$0x3FA8];
	_ =	sdelay $0x3  }
0x33: {  	p0 =	seq.s32 s10, $0x1;
	s10 =	sld [smem:$0x3FAA];
	_ =	sdelay $0x3  }
0x34: {  	[smem:$0x3FAA] =	sst s10  }
0x35: {  	s10 =	sld [smem:$0x3FA9];
	_ =	sdelay $0x3  }
0x36: {  	p1 =	seq.s32 s10, $0x1;
	s10 =	sld [smem:$0x3FAA];
	_ =	sdelay $0x3  }
0x37: {  	[smem:$0x3FAA] =	sst s10  }
0x38: {  	s10 =	sld [smem:$0x3FAB]  }
0x39: {  	_ = 	snop;
	(pc) =	sbr.ind lr, $3  }
0x3a: {  	_ = 	snop  }
0x3b: {  	_ = 	snop  }
0x3c: {  	p2 =	seq.s32 s10, $0x1;
	s10 =	sld [smem:$0x3FAA]  }
0x3d: {  	_ =	shalt  }
0x3e: {  	_ =	shalt  }
0x3f: {  	_ =	shalt  }
0x40: {  	_ =	shalt  }
0x41: {  	_ =	shalt  }
0x42: {  	_ =	shalt  }
0x43: {  	_ =	shalt  }
0x44: {  	_ =	shalt  }
0x45: {  	_ =	shalt  }
0x46: {  	_ =	shalt  }
0x47: {  	_ =	shalt  }
0x48: {  	_ =	shalt  }
0x49: {  	_ =	shalt  }
0x4a: {  	_ =	shalt  }
0x4b: {  	_ =	shalt  }
0x4c: {  	_ =	shalt  }
0x4d: {  	_ =	shalt  }
0x4e: {  	_ =	shalt  }
0x4f: {  	_ =	shalt  }
0x50: {  	_ =	shalt  }
0x51: {  	_ =	shalt  }
0x52: {  	_ =	shalt  }
0x53: {  	_ =	shalt  }
0x54: {  	_ =	shalt  }
0x55: {  	_ =	shalt  }
0x56: {  	_ =	shalt  }
0x57: {  	_ =	shalt  }
0x58: {  	_ =	shalt  }
0x59: {  	_ =	shalt  }
0x5a: {  	_ =	shalt  }
0x5b: {  	_ =	shalt  }
0x5c: {  	_ =	shalt  }
0x5d: {  	_ =	shalt  }
0x5e: {  	_ =	shalt  }
0x5f: {  	_ =	shalt  }
0x60: {  	_ =	shalt  }
0x61: {  	_ =	shalt  }
0x62: {  	_ =	shalt  }
0x63: {  	_ =	shalt  }
0x64: {  	_ =	shalt  }
0x65: {  	_ =	shalt  }
0x66: {  	_ =	shalt  }
0x67: {  	_ =	shalt  }
0x68: {  	_ =	shalt  }
0x69: {  	_ =	shalt  }
0x6a: {  	_ =	shalt  }
0x6b: {  	_ =	shalt  }
0x6c: {  	_ =	shalt  }
0x6d: {  	_ =	shalt  }
0x6e: {  	_ =	shalt  }
0x6f: {  	_ =	shalt  }
0x70: {  	_ =	shalt  }
0x71: {  	_ =	shalt  }
0x72: {  	_ =	shalt  }
0x73: {  	_ =	shalt  }
0x74: {  	_ =	shalt  }
0x75: {  	_ =	shalt  }
0x76: {  	_ =	shalt  }
0x77: {  	_ =	shalt  }
0x78: {  	_ =	shalt  }
0x79: {  	_ =	shalt  }
0x7a: {  	_ =	shalt  }
0x7b: {  	_ =	shalt  }
0x7c: {  	_ =	shalt  }
0x7d: {  	_ =	shalt  }
0x7e: {  	_ =	shalt  }
0x7f: {  	_ =	shalt  }
0x80: {  	_ =	shalt  }
0x81: {  	_ =	shalt  }
0x82: {  	_ =	shalt  }
0x83: {  	_ =	shalt  }
0x84: {  	_ =	shalt  }
0x85: {  	_ =	shalt  }
0x86: {  	_ =	shalt  }
0x87: {  	_ =	shalt  }
.Lfunc_end0:
.L_simem_size_0:
called_computation_lowered:
.L_overlay_start_0:
0x88: {  	s2 =	sld [smem:$0x3FD9]  }
0x89: {  	s3 =	sld [smem:$0x3FFE];
	_ =	sdelay $0x1  }
0x8a: {  	s1 =	srdreg.scid  }
0x8b: {  	s0 =	sand.u32 $0x1, s1  }
0x8c: {  	s17 =	sshll.u32 s0, $0xA;
	s2 =	sadd.s32 s3, s2  }
0x8d: {  	s2 =	sadd.s32 s2, s17  }
0x8e: {  	[smem:$0x3FB6] =	sst s2  }
0x8f: {  	_ = 	snop  }
0x90: {  	s2 =	sld [smem:$0x3FD0];
	(tm) =	ssettm $0x1  }
0x91: {  	s18 =	sld [smem:$0x3FFB];
	_ =	sdelay $0x3  }
0x92: {  	_ =	strace s18  }
0x93: {  	s3 =	sld [smem:$0x3FFC];
	_ =	sdelay $0x3  }
0x94: {  	_ =	strace s3  }
0x95: {  	s3 =	sld [smem:$0x3FFD];
	_ =	sdelay $0x3  }
0x96: {  	_ =	strace s3  }
0x97: {  	_ =	strace $0x8FFFFFFF  }
0x98: {  	s19 =	sld [smem:$0x3FDB];
	_ =	sdelay $0x1  }
0x99: {  	s4 =	simm.s32 $_scs_section_size  }
0x9a: {  	s5 =	simm.s32 $_size__tile_overlayer_lowered;
	s6 =	simm.s32 $_tile_overlayer_lowered  }
0x9b: {  	s22 =	simm.s32 $0x1BFF;
	s21 =	sshll.u32 s6, $0x1;
	s3 =	sadd.s32 s4, s19  }
0x9c: {  	s7 =	simm.s32 $0x0;
	s20 =	sshll.u32 s5, $0x1;
	s5 =	sadd.s32 s21, s3  }
0x9d: {  	[timem:s7], [sflag:s22] =	dma.local [hbm:s5], s20  }
0x9e: {  	_ =	swait.ge [sflag:s22], s20  }
0x9f: {  	s4 =	ssub.s32 $0x0, s20;
	[sflag:s22] =	ssyncset.done $0x0  }
0xa0: {  	[sflag:s22] =	ssyncadd.s32 s4;
	_ =	sdelay $0x1  }
0xa1: {  	s23 =	simm.s32 $0x1B8B  }
0xa2: {  	_ =	swait.ge [sflag:s23], $0x1  }
0xa3: {  	[sflag:s23] =	ssyncset.done $0x0  }
0xa4: {  	s25 =	simm.s32 $0x1B8E;
	s24 =	sld [smem:$0x3FFE];
	[sflag:s23] =	ssyncadd.s32 $0xFFFFFFFF  }
0xa5: {  	s26 =	simm.s32 $execute0_lowered;
	[smem:$0x3FD2] =	sst s25  }
0xa6: {  	s5 =	sshll.u32 s26, $0x1;
	_ =	strace $0x80000046;
	[dreg:$0x1] =	wrdreg $0xFFFFFFFF  }
0xa7: {  	s28 =	simm.s32 $_size_execute0_lowered;
	s3 =	sadd.s32 s3, s5;
	[dreg:$0x0] =	wrdreg $0x0  }
0xa8: {  	s5 =	sshll.u32 s28, $0x1;
	[dreg:$0x2] =	wrdreg s3  }
0xa9: {  	[dreg:$0x3] =	wrdreg s5  }
0xaa: {  	[dreg:$0x4] =	wrdreg $0xC0  }
0xab: {  	_ =	task [dreg:s7], $0x5FFFF  }
0xac: {  	[dreg:$0x1] =	wrdreg $0xFFFFFFFF  }
0xad: {  	[dreg:$0x0] =	wrdreg $0x60  }
0xae: {  	[dreg:$0x2] =	wrdreg s2  }
0xaf: {  	[dreg:$0x3] =	wrdreg s24  }
0xb0: {  	[dreg:$0x4] =	wrdreg $0xC7000  }
0xb1: {  	[dreg:$0x5] =	wrdreg $0x9  }
0xb2: {  	_ =	task.clear_ibuf [dreg:s7], $0x6FFFF;
	_ =	strace $0x90000046  }
0xb3: {  	s29 =	simm.s32 $0x9;
	_ =	strace $0x80000048  }
0xb4: {  	_ =	swait.ge [sflag:s29], $0x1  }
0xb5: {  	[sflag:s29] =	ssyncadd.s32 $0xFFFFFFFF  }
0xb6: {  	_ =	strace $0x90000048  }
0xb7: {  	_ =	sfence  }
0xb8: {  	s30 =	sld [smem:$0x0];
	_ =	sdelay $0x2  }
0xb9: {  	s31 =	sshll.u32 s1, $0xD;
	s1 =	sshrl.u32 s1, $0x2  }
0xba: {  	s3 =	sand.u32 $0x4000, s31;
	s1 =	sadd.s32 s1, s30  }
0xbb: {  	s0 =	sor.u32 s3, s0;
	s1 =	sshll.u32 s1, $0x11  }
0xbc: {  	s0 =	sor.u32 s1, s0  }
0xbd: {  	s0 =	sadd.s32 $0x8F2B, s0  }
0xbe: {  	[sflag:s0] =	ssyncadd.remote.s32 $0x1  }
0xbf: {  	_ =	sfence.sel $0xFFFF  }
0xc0: {  	[dreg:$0x0] =	wrdreg $0xFFFFFFFF;
	(pc) =	sbr.abs _section_cstart, $3  }
0xc1: {  	[dreg:$0x1] =	wrdreg $0xFFFFFFFF  }
0xc2: {  	_ =	task.clear_ibuf [dreg:s7], $0x2FFFF;
	_ =	strace $0x9FFFFFFF  }
0xc3: {  	(tm) =	ssettm $0x7FFFFFFF  }
tec
execute0_lowered:
.L_overlay_start_1:
0x0: {  	(tag) =	ssettag $0x1  }
0x1: {  	s0 =	srdreg.scid;
	s1 =	rddreg [dreg:$0x0]  }
0x2: {  	s2 =	rddreg [dreg:$0x1];
	s14 =	stileid.u32  }
0x3: {  	s3 =	rddreg [dreg:$0x2];
	s17 =	simm.s32 $0x2780;
	s20 =	simm.s32 $0x4  }
0x4: {  	s21 =	simm.s32 $0x50;
	s22 =	simm.s32 $0x4F00;
	s23 =	simm.s32 $0x7700  }
0x5: {  	s24 =	simm.s32 $0x5;
	s29 =	simm.s32 $0x9F00;
	s6 =	smul.u32 $0x2700, s14  }
0x6: {  	s30 =	simm.s32 $0x2;
	s0 =	sand.u32 $0x1, s0;
	s8 =	smul.u32 $0x4E000, s14  }
0x7: {  	s15 =	sadd.s32 $0x3F600, s2;
	s16 =	sadd.s32 $0x66800, s2;
	s19 =	sadd.s32 $0x138000, s3  }
0x8: {  	s13 =	sadd.s32 $0x2B800, s2;
	p1 =	sne.s32 s14, $0xF;
	p2 =	seq.s32 s14, $0xF  }
0x9: {  	s4 =	sshll.u32 s0, $0x4;
	s7 =	ssub.s32 $0x2, s0;
	p0 =	seq.s32 s0, $0x1  }
0xa: {  	s0 =	simm.s32 $0x3;
	s5 =	sor.u32 s14, s4;
	s4 =	simm.s32 $0x0  }
0xb: {  	s10 =	sadd.s32 s6, s2;
	s9 =	sshrl.u32 s7, $0x1;
	s25 =	sshrl.u32 s8, $0x2  }
0xc: {  	s28 =	sadd.s32 s15, s6;
	s31 =	sadd.s32 s16, s6;
	s6 =	simm.s32 $0x140  }
0xd: {  	s5 =	smul.u32 $0x4E2, s5;
	[smem:$0x7FF] =	sst s4;
	s12 =	ssub.s32 s7, s9  }
0xe: {  	s26 =	sadd.s32 s25, s3;
	_ =	strace $0x80000047;
	[dreg:$0x4] =	wrdreg s15  }
0xf: {  	s9 =	sshll.u32 s14, $0x6;
	s10 =	sadd.s32 $0x4800, s10;
	[dreg:$0x7] =	wrdreg s28  }
.Ltmp0:
0x10: {  	s25 =	simm.s32 $0x6;
	[dreg:$0x5] =	wrdreg s16;
	(pc) =	sbr.rel .LBB2_1-.Ltmp0, $4  }
0x11: {  	s14 =	simm.s32 $0x7;
	s11 =	sor.u32 $0x1C06, s9;
	[dreg:$0x8] =	wrdreg s31  }
0x12: {  	s16 =	smax.u32 s12, $0x1;
	s18 =	sshrl.u32 s26, $0x3;
	[dreg:$0x6] =	wrdreg s19  }
0x13: {  	s19 =	sshrl.u32 @!p1 s19, $0x3;
	s26 =	simm.s32 $0x1;
	s5 =	sadd.s32 s5, s2  }
0x14: {  	s15 =	simm.s32 $0x0;
	s7 =	sadd.s32 $0x2BA00, s5;
	s8 =	sadd.s32 $0x35800, s5  }
.LBB2_7:
0x15: {  	s5 =	rddreg [dreg:$0x6]  }
0x16: {  	s2 =	sadd.s32 $0x27000, s28;
	s5 =	sshrl.u32 s5, $0x3  }
0x17: {  	[hbm:s2], [sflag:s12] =	dma.local [spmem:s5], $0x100  }
0x18: {  	_ =	swait.ge [sflag:s14], $0x100  }
0x19: {  	[sflag:s14] =	ssyncset.done $0x0  }
0x1a: {  	[sflag:s14] =	ssyncadd.s32 $0xFFFFFF00  }
.LBB2_8:
0x1b: {  	s15 =	sadd.s32 $0x1, s15  }
0x1c: {  	p3 =	sne.s32 s15, s16  }
.Ltmp1:
0x1d: {  	_ = 	snop;
	(pc) =	sbr.rel @!p3 .LBB2_9-.Ltmp1, $1  }
0x1e: {  	_ =	sdelay $0x3  }
.LBB2_1:
0x1f: {  	[tilespmem:s4], [sflag:$0x4] =	stream.linear.gather [hbm4b:s7+s4], $0x2710, $0x38;
	[tilespmem:$0x1FF80] =	vst v63  }
0x20: {  	_ = 	snop  }
0x21: {  	[tilespmem:s17], [sflag:$0x5] =	stream.linear.gather [hbm4b:s8+s4], $0x2710, $0x38;
	[tilespmem:$0x1FF80] =	vst v63  }
0x22: {  	[spmem:s18], [sflag:s11] =	dma.local [hbm:s10], $0x2700  }
0x23: {  	[spmem:s19], [sflag:s11] =	dma.local @!p1 [hbm:s13], $0x100  }
0x24: {  	_ =	swait.ge [sflag:s20], $0x2710  }
0x25: {  	[sflag:s20] =	ssyncset.done $0x0  }
0x26: {  	[sflag:s20] =	ssyncadd.s32 $0xFFFFD8F0  }
0x27: {  	[tilespmem:s22], [sflag:$0x1] =	stream.indirect.gather [hbm4b:s1+s21], $0x80, s4, s21, $0xb8;
	[tilespmem:$0x1FF80] =	vst v63  }
0x28: {  	_ = 	snop  }
0x29: {  	[tilespmem:s23], [sflag:$0x2] =	stream.indirect.gather [hbm4b:s1+s21], $0x80, s21, s21, $0xb8;
	[tilespmem:$0x1FF80] =	vst v63  }
0x2a: {  	_ =	swait.ge [sflag:s24], $0x2710  }
0x2b: {  	[sflag:s24] =	ssyncset.done $0x0  }
0x2c: {  	[sflag:s24] =	ssyncadd.s32 $0xFFFFD8F0  }
0x2d: {  	_ =	swait.ge [sflag:s25], $0x2700  }
0x2e: {  	[sflag:s25] =	ssyncset.done $0x0  }
0x2f: {  	s12 =	simm.s32 @!p1 $0x6;
	[sflag:s25] =	ssyncadd.s32 $0xFFFFD900  }
0x30: {  	_ =	swait.ge @!p1 [sflag:s12], $0x100  }
0x31: {  	[sflag:s12] =	ssyncset.done @!p1 $0x0  }
0x32: {  	[sflag:s12] =	ssyncadd.s32 @!p1 $0xFFFFFF00  }
0x33: {  	[bflag:$0x0] =	sbarrier.arrive $0xFFFF  }
0x34: {  	_ =	swait.ge [sflag:s26], $0x2800  }
0x35: {  	[sflag:s26] =	ssyncset.done $0x0  }
0x36: {  	[sflag:s26] =	ssyncadd.s32 $0xFFFFD800  }
0x37: {  	[spmem:s3] =	stream.indirect.scatter.add.f32 [tilespmem:s22], [sflag:$0x4], $0x80, s17, s21, $0xb8;
	[tilespmem:$0x1FF80] =	vst v63  }
0x38: {  	s2 =	simm.s32 $0xA0  }
0x39: {  	[tilespmem:s29], [sflag:$0x3] =	stream.indirect.gather [hbm4b:s1+s21], $0x80, s2, s21, $0xb8;
	[tilespmem:$0x1FF80] =	vst v63  }
0x3a: {  	_ =	swait.ge [sflag:s30], $0x2800  }
0x3b: {  	[sflag:s30] =	ssyncset.done $0x0  }
0x3c: {  	s12 =	simm.s32 $0x27D0;
	[sflag:s30] =	ssyncadd.s32 $0xFFFFD800  }
0x3d: {  	[spmem:s3] =	stream.indirect.scatter.add.f32 [tilespmem:s23], [sflag:$0x5], $0x80, s12, s21, $0xb8;
	[tilespmem:$0x1FF80] =	vst v63  }
0x3e: {  	_ =	swait.ge [sflag:s20], $0x2800  }
0x3f: {  	[sflag:s20] =	ssyncset.done $0x0  }
0x40: {  	s28 =	simm.s32 $0xF0;
	[sflag:s20] =	ssyncadd.s32 $0xFFFFD800  }
0x41: {  	[tilespmem:s22], [sflag:$0x1] =	stream.indirect.gather [hbm4b:s1+s21], $0x80, s28, s21, $0xb8;
	[tilespmem:$0x1FF80] =	vst v63  }
0x42: {  	_ =	swait.ge [sflag:s0], $0x2800  }
0x43: {  	[sflag:s0] =	ssyncset.done $0x0  }
0x44: {  	s31 =	simm.s32 $0x2820;
	[sflag:s0] =	ssyncadd.s32 $0xFFFFD800  }
0x45: {  	[spmem:s3] =	stream.indirect.scatter.add.f32 [tilespmem:s29], [sflag:$0x6], $0x80, s31, s21, $0xb8;
	[tilespmem:$0x1FF80] =	vst v63  }
0x46: {  	_ =	swait.ge [sflag:s24], $0x2800  }
0x47: {  	[sflag:s24] =	ssyncset.done $0x0  }
0x48: {  	s12 =	simm.s32 $0x0;
	[sflag:s24] =	ssyncadd.s32 $0xFFFFD800  }
0x49: {  	[tilespmem:s23], [sflag:$0x2] =	stream.indirect.gather [hbm4b:s1+s21], $0x80, s6, s21, $0xb8;
	[tilespmem:$0x1FF80] =	vst v63  }
.LBB2_2:
0x4a: {  	_ =	swait.ge [sflag:s26], $0x2800  }
0x4b: {  	s28 =	sshra.s32 s12, $0x2;
	[sflag:s26] =	ssyncset.done $0x0  }
0x4c: {  	s31 =	sadd.s32 $0x2870, s28;
	[sflag:s26] =	ssyncadd.s32 $0xFFFFD800  }
0x4d: {  	[spmem:s3] =	stream.indirect.scatter.add.f32 [tilespmem:s22], [sflag:$0x4], $0x80, s31, s21, $0xb8;
	[tilespmem:$0x1FF80] =	vst v63  }
0x4e: {  	p3 =	seq.s32 s12, $0x9600;
	_ =	swait.ge [sflag:s25], $0x2800  }
0x4f: {  	s2 =	simm.s32 @!p3 $0x50;
	s31 =	sshra.s32 @!p3 s12, $0x2;
	[sflag:s25] =	ssyncset.done $0x0  }
0x50: {  	s5 =	simm.s32 @!p3 $0x9F00;
	s31 =	sadd.s32 @!p3 $0x190, s31;
	[sflag:s25] =	ssyncadd.s32 $0xFFFFD800  }
0x51: {  	[tilespmem:s5], [sflag:$0x3] =	stream.indirect.gather @!p3 [hbm4b:s1+s2], $0x80, s31, s2, $0xb8;
	[tilespmem:$0x1FF80] =	vst v63  }
0x52: {  	_ =	swait.ge [sflag:s30], $0x2800  }
0x53: {  	[sflag:s30] =	ssyncset.done $0x0  }
.Ltmp2:
0x54: {  	s31 =	sadd.s32 $0x28C0, s28;
	[sflag:s30] =	ssyncadd.s32 $0xFFFFD800;
	(pc) =	sbr.rel @p3 .LBB2_4-.Ltmp2, $4  }
0x55: {  	[spmem:s3] =	stream.indirect.scatter.add.f32 [tilespmem:s23], [sflag:$0x5], $0x80, s31, s21, $0xb8;
	[tilespmem:$0x1FF80] =	vst v63  }
0x56: {  	_ =	swait.ge [sflag:s20], $0x2800  }
0x57: {  	[sflag:s20] =	ssyncset.done $0x0  }
0x58: {  	[sflag:s20] =	ssyncadd.s32 $0xFFFFD800  }
0x59: {  	s2 =	sadd.s32 $0x1E0, s28  }
0x5a: {  	[tilespmem:s22], [sflag:$0x1] =	stream.indirect.gather [hbm4b:s1+s21], $0x80, s2, s21, $0xb8;
	[tilespmem:$0x1FF80] =	vst v63  }
0x5b: {  	_ =	swait.ge [sflag:s0], $0x2800  }
0x5c: {  	[sflag:s0] =	ssyncset.done $0x0  }
0x5d: {  	s5 =	sadd.s32 $0x2910, s28;
	[sflag:s0] =	ssyncadd.s32 $0xFFFFD800  }
0x5e: {  	[spmem:s3] =	stream.indirect.scatter.add.f32 [tilespmem:s29], [sflag:$0x6], $0x80, s5, s21, $0xb8;
	[tilespmem:$0x1FF80] =	vst v63  }
.Ltmp3:
0x5f: {  	_ = 	snop;
	(pc) =	sbr.rel .LBB2_2-.Ltmp3, $4  }
0x60: {  	_ =	swait.ge [sflag:s24], $0x2800  }
0x61: {  	[sflag:s24] =	ssyncset.done $0x0  }
0x62: {  	s31 =	sadd.s32 $0x230, s28;
	s12 =	sadd.s32 $0x3C0, s12;
	[sflag:s24] =	ssyncadd.s32 $0xFFFFD800  }
0x63: {  	[tilespmem:s23], [sflag:$0x2] =	stream.indirect.gather [hbm4b:s1+s21], $0x80, s31, s21, $0xb8;
	[tilespmem:$0x1FF80] =	vst v63  }
.LBB2_4:
.Ltmp4:
0x64: {  	_ =	swait.ge [sflag:s24], $0x2800;
	(pc) =	sbr.rel @!p0 .LBB2_5-.Ltmp4, $4  }
0x65: {  	[sflag:s24] =	ssyncset.done $0x0  }
0x66: {  	[sflag:s24] =	ssyncadd.s32 $0xFFFFD800  }
0x67: {  	[bflag:$0x0] =	sbarrier.arrive $0xFFFF  }
0x68: {  	s12 =	sor.u32 $0x1C07, s9  }
0x69: {  	s12 =	sor.u32 $0x1C07, s9;
	s2 =	rddreg [dreg:$0x8]  }
0x6a: {  	[hbm:s2], [sflag:s12] =	dma.local [spmem:s18], $0x2700  }
.Ltmp5:
0x6b: {  	_ = 	snop;
	(pc) =	sbr.rel @p1 .LBB2_8-.Ltmp5, $4  }
.Ltmp6:
0x6c: {  	_ = 	snop;
	(pc) =	sbr.rel @!p1 .LBB2_7-.Ltmp6, $4  }
0x6d: {  	_ =	swait.ge [sflag:s14], $0x2700  }
0x6e: {  	[sflag:s14] =	ssyncset.done $0x0  }
0x6f: {  	s28 =	rddreg [dreg:$0x5];
	[sflag:s14] =	ssyncadd.s32 $0xFFFFD900  }
0x70: {  	_ = 	snop  }
.LBB2_5:
0x71: {  	s2 =	rddreg [dreg:$0x7]  }
0x72: {  	[hbm:s2], [sflag:s12] =	dma.local [spmem:s18], $0x2700  }
.Ltmp7:
0x73: {  	_ = 	snop;
	(pc) =	sbr.rel @p2 .LBB2_7-.Ltmp7, $4  }
.Ltmp8:
0x74: {  	_ = 	snop;
	(pc) =	sbr.rel @!p2 .LBB2_8-.Ltmp8, $4  }
0x75: {  	_ =	swait.ge [sflag:s14], $0x2700  }
0x76: {  	[sflag:s14] =	ssyncset.done $0x0  }
0x77: {  	s28 =	rddreg [dreg:$0x4];
	[sflag:s14] =	ssyncadd.s32 $0xFFFFD900  }
0x78: {  	_ = 	snop  }
.LBB2_9:
0x79: {  	_ =	sfence.sel $0x180000  }
0x7a: {  	[bflag:$0x0] =	sbarrier.arrive $0xFFFF  }
0x7b: {  	_ =	strace $0x90000047  }
0x7c: {  	s0 =	stileid.u32;
	[bflag:$0x2] =	sbarrier.arrive $0xFFFF  }
0x7d: {  	p0 =	sne.s32 s0, $0x0;
	s0 =	rddreg [dreg:$0x3]  }
0x7e: {  	s0 =	sadd.s32 @!p0 $0x100000, s0  }
0x7f: {  	[sflag:s0] =	ssyncadd.tile.s32 @!p0 $0x1;
	_ =	shalt  }
.Lfunc_end2:
_tile_overlayer_lowered:
.L_overlay_start_2:
0x80: {  	(tag) =	ssettag $0x2  }
0x81: {  	s0 =	rddreg [dreg:$0x0];
	s2 =	stileid.u32  }
0x82: {  	s1 =	rddreg [dreg:$0x1];
	p0 =	sne.s32 s2, $0x0  }
0x83: {  	s3 =	rddreg [dreg:$0x2];
	[bflag:$0x3] =	sbarrier.arrive $0xFFFF;
	s2 =	simm.s32 @!p0 $0x1C07  }
0x84: {  	[timem:s3], [sflag:s2] =	dma.local @!p0 [hbm:s0], s1  }
0x85: {  	s0 =	simm.s32 @!p0 $0x7  }
0x86: {  	_ =	swait.ge @!p0 [sflag:s0], s1  }
0x87: {  	s1 =	ssub.s32 @!p0 $0x0, s1;
	[sflag:s0] =	ssyncset.done @!p0 $0x0  }
0x88: {  	[sflag:s0] =	ssyncadd.s32 @!p0 s1  }
0x89: {  	[bflag:$0x3] =	sbarrier.arrive $0xFFFF  }
0x8a: {  	_ =	shalt  }

</sc_bundles>
